<compile_context>
chip_gen: v7x
topology: tpu7x:2x2x1
jax: 0.10.2.dev20260603
libtpu: 0.0.44.dev20260713+nightly
codegen_flags: <defaults>
</compile_context>

<pallas_src>
import functools

import jax
import jax.numpy as jnp
from jax import lax
from jax.experimental import pallas as pl
from jax.experimental.pallas import tpu as pltpu
from jax.experimental.pallas import tpu_sc as plsc

_TABLE_ROWS = 3375
_H = 16
_N = 512
_N2 = _N * _N
_NW = 32
_PER_W = _N2 // _NW
_CHUNK = 1024
_NCHUNK = _PER_W // _CHUNK


def _bias_body(table_hbm, idx_hbm, out_hbm, table_v, idx_v, outT_v,
               idx_sem, out_sem):
    wid = lax.axis_index("s") * 2 + lax.axis_index("c")
    base = wid * _PER_W
    mrow0 = wid * (_PER_W // _N)

    def start_idx(c):
        b = lax.rem(c, 2)
        pltpu.async_copy(idx_hbm.at[pl.ds(mrow0 + c * (_CHUNK // _N),
                                          _CHUNK // _N), :],
                         idx_v.at[b], idx_sem.at[b])

    def wait_idx(c):
        b = lax.rem(c, 2)
        pltpu.make_async_copy(idx_hbm.at[pl.ds(0, _CHUNK // _N), :],
                              idx_v.at[b], idx_sem.at[b]).wait()

    def out_dst(c):
        return out_hbm.at[0, :, pl.ds(mrow0 + c * (_CHUNK // _N),
                                      _CHUNK // _N), :]

    def start_out(c):
        b = lax.rem(c, 2)
        pltpu.async_copy(outT_v.at[b], out_dst(c), out_sem.at[b])

    def wait_out(c):
        b = lax.rem(c, 2)
        pltpu.make_async_copy(outT_v.at[b], out_dst(c), out_sem.at[b]).wait()

    start_idx(0)
    start_idx(1)
    pltpu.sync_copy(table_hbm, table_v)

    def chunk_body(c, carry):
        b = lax.rem(c, 2)
        wait_idx(c)

        @pl.when(c >= 2)
        def _():
            wait_out(c - 2)

        @plsc.parallel_loop(0, _N // 16)
        def _gather(g):
            for r in range(_CHUNK // _N):
                vidx = idx_v[b, r, pl.ds(g * 16, 16)]
                for h in range(_H):
                    v = plsc.load_gather(table_v,
                                         [vidx + h * _TABLE_ROWS])
                    outT_v[b, h, r, pl.ds(g * 16, 16)] = v

        start_out(c)

        @pl.when(c + 2 < _NCHUNK)
        def _():
            start_idx(c + 2)

        return carry

    lax.fori_loop(0, _NCHUNK, chunk_body, 0)
    wait_out(_NCHUNK - 2)
    wait_out(_NCHUNK - 1)


@functools.partial(
    pl.kernel,
    mesh=plsc.VectorSubcoreMesh(core_axis_name="c", subcore_axis_name="s"),
    compiler_params=pltpu.CompilerParams(needs_layout_passes=False),
    out_type=jax.ShapeDtypeStruct((1, _H, _N, _N), jnp.float32),
    scratch_types=[
        pltpu.VMEM((_TABLE_ROWS * _H,), jnp.float32),
        pltpu.VMEM((2, _CHUNK // _N, _N), jnp.int32),
        pltpu.VMEM((2, _H, _CHUNK // _N, _N), jnp.float32),
        pltpu.SemaphoreType.DMA((2,)),
        pltpu.SemaphoreType.DMA((2,)),
    ],
)
def _bias_call(table_hbm, idx_hbm, out_hbm, table_v, idx_v, outT_v,
               idx_sem, out_sem):
    _bias_body(table_hbm, idx_hbm, out_hbm, table_v, idx_v, outT_v,
               idx_sem, out_sem)


def kernel(relative_position_bias_table, relative_position_index):
    table_flat = relative_position_bias_table.T.reshape(-1)
    return _bias_call(table_flat, relative_position_index)

# --- scband reference (transcript-rebuilt; emitter-appended) ---
"""Pipeline reference for scband-relative-position-bias3d-11166914969726 (READ-ONLY COPY).

The authoritative reference and input builder live on the scoring server;
editing this copy changes nothing except your own understanding.
"""

import jax, jax.numpy as jnp
import numpy as np

WD, WH, WW = 8, 8, 8
NUM_HEADS = 16
TABLE_ROWS = (2 * WD - 1) * (2 * WH - 1) * (2 * WW - 1)
N = WD * WH * WW


def _relative_position_index():
    coords_d = np.arange(WD)
    coords_h = np.arange(WH)
    coords_w = np.arange(WW)
    coords = np.stack(np.meshgrid(coords_d, coords_h, coords_w, indexing='ij'))  # [3, WD, WH, WW]
    coords_flatten = coords.reshape(3, -1)  # [3, N]
    relative_coords = coords_flatten[:, :, None] - coords_flatten[:, None, :]  # [3, N, N]
    relative_coords = relative_coords.transpose(1, 2, 0).copy()  # [N, N, 3]
    relative_coords[:, :, 0] += WD - 1
    relative_coords[:, :, 1] += WH - 1
    relative_coords[:, :, 2] += WW - 1
    relative_coords[:, :, 0] *= (2 * WH - 1) * (2 * WW - 1)
    relative_coords[:, :, 1] *= 2 * WW - 1
    return relative_coords.sum(-1).astype(np.int32)  # [N, N]


def setup_inputs(seed: int = 0) -> dict:
    key = jax.random.key(seed)
    table = jax.random.normal(key, (TABLE_ROWS, NUM_HEADS), dtype=jnp.float32) * 0.02
    rpi = jnp.asarray(_relative_position_index())
    return {
        'relative_position_bias_table': table,
        'relative_position_index': rpi,
    }


def reference(relative_position_bias_table, relative_position_index):
    flat_idx = relative_position_index.reshape(-1)  # [N*N]
    bias = jnp.take(relative_position_bias_table, flat_idx, axis=0)  # [N*N, H]
    bias = bias.reshape(N, N, -1)  # [N, N, H]
    bias = jnp.transpose(bias, (2, 0, 1))  # [H, N, N]
    return bias[None]  # [1, H, N, N]

if __name__ == "__main__":
    import jax
    _d = setup_inputs()
    print(jax.jit(kernel)(*tuple(_d.values())))

</pallas_src>

<mosaic_0001>
#map = affine_map<(d0, d1) -> (0)>
#map1 = affine_map<(d0, d1) -> (0, 0)>
#map2 = affine_map<(d0, d1) -> (0, 0, 0, 0)>
module attributes {stable_mosaic.version = 14 : i64} {
  func.func @_bias_call(%arg0: i32, %arg1: i32, %arg2: memref<54000xf32, #tpu.memory_space<hbm>>, %arg3: memref<512x512xi32, #tpu.memory_space<hbm>>, %arg4: memref<1x16x512x512xf32, #tpu.memory_space<hbm>>, %arg5: memref<54000xf32, #tpu.memory_space<vmem>>, %arg6: memref<2x2x512xi32, #tpu.memory_space<vmem>>, %arg7: memref<2x16x2x512xf32, #tpu.memory_space<vmem>>, %arg8: memref<2x!tpu.dma_semaphore, #tpu.memory_space<semaphore_mem>>, %arg9: memref<2x!tpu.dma_semaphore, #tpu.memory_space<semaphore_mem>>) attributes {dimension_semantics = [#tpu.dimension_semantics<core_parallel>, #tpu.dimension_semantics<subcore_parallel>], iteration_bounds = array<i64: 2, 16>, scalar_prefetch = 0 : i64, scratch_operands = 5 : i64, tpu.core_type = #tpu.core_type<sc_vector_subcore>, window_params = [{transform_indices = #map}, {transform_indices = #map1}, {transform_indices = #map2}]} {
    %mul3A = arith.constant 2 : i32
    %mul3A_0 = arith.muli %arg1, %mul3A : i32
    %add3A = arith.addi %mul3A_0, %arg0 : i32
    %mul3A_1 = arith.constant 8192 : i32
    %mul3A_2 = arith.muli %add3A, %mul3A_1 : i32
    %mul3A_3 = arith.constant 16 : i32
    %mul3A_4 = arith.muli %add3A, %mul3A_3 : i32
    %rem3A = arith.constant 0 : i32
    %rem3A_5 = arith.constant 2 : i32
    %rem3A_6 = arith.remsi %rem3A, %rem3A_5 : i32
    %add3A_7 = arith.constant 0 : i32
    %add3A_8 = arith.addi %mul3A_4, %add3A_7 : i32
    %dma_start3A = arith.constant 0 : i32
    %dma_start3A_9 = arith.constant 0 : i32
    %dma_start3A_10 = tpu.memref_slice %arg6[%rem3A_6, %dma_start3A, %dma_start3A_9] : memref<2x2x512xi32, #tpu.memory_space<vmem>> -> memref<1x2x512xi32, #tpu.memory_space<vmem>>
    %dma_start3A_11 = tpu.memref_squeeze %dma_start3A_10 : memref<1x2x512xi32, #tpu.memory_space<vmem>> -> memref<2x512xi32, #tpu.memory_space<vmem>>
    %dma_start3A_12 = arith.constant 0 : i32
    %dma_start3A_13 = tpu.memref_slice %arg3[%add3A_8, %dma_start3A_12] : memref<512x512xi32, #tpu.memory_space<hbm>> -> memref<2x512xi32, #tpu.memory_space<hbm>>
    %dma_start3A_14 = tpu.memref_slice %arg8[%rem3A_6] : memref<2x!tpu.dma_semaphore, #tpu.memory_space<semaphore_mem>> -> memref<1x!tpu.dma_semaphore, #tpu.memory_space<semaphore_mem>>
    %dma_start3A_15 = tpu.memref_squeeze %dma_start3A_14 : memref<1x!tpu.dma_semaphore, #tpu.memory_space<semaphore_mem>> -> memref<!tpu.dma_semaphore, #tpu.memory_space<semaphore_mem>>
    %dma_start3A_16 = arith.constant 0 : i32
    %dma_start3A_17 = arith.constant 0 : i32
    %dma_start3A_18 = tpu.memref_slice %arg6[%rem3A_6, %dma_start3A_16, %dma_start3A_17] : memref<2x2x512xi32, #tpu.memory_space<vmem>> -> memref<1x2x512xi32, #tpu.memory_space<vmem>>
    %dma_start3A_19 = tpu.memref_squeeze %dma_start3A_18 : memref<1x2x512xi32, #tpu.memory_space<vmem>> -> memref<2x512xi32, #tpu.memory_space<vmem>>
    %dma_start3A_20 = arith.constant 0 : i32
    %dma_start3A_21 = tpu.memref_slice %arg3[%add3A_8, %dma_start3A_20] : memref<512x512xi32, #tpu.memory_space<hbm>> -> memref<2x512xi32, #tpu.memory_space<hbm>>
    tpu.enqueue_dma source(%dma_start3A_21 : memref<2x512xi32, #tpu.memory_space<hbm>>) target(%dma_start3A_19 : memref<2x512xi32, #tpu.memory_space<vmem>>) target_semaphore(%dma_start3A_15 : memref<!tpu.dma_semaphore, #tpu.memory_space<semaphore_mem>>)
    %rem3A_22 = arith.constant 1 : i32
    %rem3A_23 = arith.constant 2 : i32
    %rem3A_24 = arith.remsi %rem3A_22, %rem3A_23 : i32
    %add3A_25 = arith.constant 2 : i32
    %add3A_26 = arith.addi %mul3A_4, %add3A_25 : i32
    %dma_start3A_27 = arith.constant 0 : i32
    %dma_start3A_28 = arith.constant 0 : i32
    %dma_start3A_29 = tpu.memref_slice %arg6[%rem3A_24, %dma_start3A_27, %dma_start3A_28] : memref<2x2x512xi32, #tpu.memory_space<vmem>> -> memref<1x2x512xi32, #tpu.memory_space<vmem>>
    %dma_start3A_30 = tpu.memref_squeeze %dma_start3A_29 : memref<1x2x512xi32, #tpu.memory_space<vmem>> -> memref<2x512xi32, #tpu.memory_space<vmem>>
    %dma_start3A_31 = arith.constant 0 : i32
    %dma_start3A_32 = tpu.memref_slice %arg3[%add3A_26, %dma_start3A_31] : memref<512x512xi32, #tpu.memory_space<hbm>> -> memref<2x512xi32, #tpu.memory_space<hbm>>
    %dma_start3A_33 = tpu.memref_slice %arg8[%rem3A_24] : memref<2x!tpu.dma_semaphore, #tpu.memory_space<semaphore_mem>> -> memref<1x!tpu.dma_semaphore, #tpu.memory_space<semaphore_mem>>
    %dma_start3A_34 = tpu.memref_squeeze %dma_start3A_33 : memref<1x!tpu.dma_semaphore, #tpu.memory_space<semaphore_mem>> -> memref<!tpu.dma_semaphore, #tpu.memory_space<semaphore_mem>>
    %dma_start3A_35 = arith.constant 0 : i32
    %dma_start3A_36 = arith.constant 0 : i32
    %dma_start3A_37 = tpu.memref_slice %arg6[%rem3A_24, %dma_start3A_35, %dma_start3A_36] : memref<2x2x512xi32, #tpu.memory_space<vmem>> -> memref<1x2x512xi32, #tpu.memory_space<vmem>>
    %dma_start3A_38 = tpu.memref_squeeze %dma_start3A_37 : memref<1x2x512xi32, #tpu.memory_space<vmem>> -> memref<2x512xi32, #tpu.memory_space<vmem>>
    %dma_start3A_39 = arith.constant 0 : i32
    %dma_start3A_40 = tpu.memref_slice %arg3[%add3A_26, %dma_start3A_39] : memref<512x512xi32, #tpu.memory_space<hbm>> -> memref<2x512xi32, #tpu.memory_space<hbm>>
    tpu.enqueue_dma source(%dma_start3A_40 : memref<2x512xi32, #tpu.memory_space<hbm>>) target(%dma_start3A_38 : memref<2x512xi32, #tpu.memory_space<vmem>>) target_semaphore(%dma_start3A_34 : memref<!tpu.dma_semaphore, #tpu.memory_space<semaphore_mem>>)
    "tpu.region"() ({
      %run_scoped3A = tpu.sem_alloc : memref<!tpu.dma_semaphore, #tpu.memory_space<semaphore_mem>>
      tpu.enqueue_dma source(%arg2 : memref<54000xf32, #tpu.memory_space<hbm>>) target(%arg5 : memref<54000xf32, #tpu.memory_space<vmem>>) target_semaphore(%run_scoped3A : memref<!tpu.dma_semaphore, #tpu.memory_space<semaphore_mem>>)
      tpu.wait_dma2 semaphore(%run_scoped3A : memref<!tpu.dma_semaphore, #tpu.memory_space<semaphore_mem>>) src(%arg2 : memref<54000xf32, #tpu.memory_space<hbm>>) dst(%arg5 : memref<54000xf32, #tpu.memory_space<vmem>>)
      tpu.yield
    }) : () -> ()
    %scan3A = arith.constant 0 : i32
    %scan3A_41 = arith.constant 0 : i32
    %scan3A_42 = arith.constant 8 : i32
    %scan3A_43 = arith.addi %scan3A_41, %scan3A_42 : i32
    %scan3A_44 = arith.constant 1 : i32
    scf.for %scan3A_97 = %scan3A_41 to %scan3A_43 step %scan3A_44  : i32 {
      %rem3A_98 = arith.constant 2 : i32
      %rem3A_99 = arith.remsi %scan3A_97, %rem3A_98 : i32
      %rem3A_100 = arith.constant 2 : i32
      %rem3A_101 = arith.remsi %scan3A_97, %rem3A_100 : i32
      %dma_wait3A_102 = arith.constant 0 : i32
      %dma_wait3A_103 = arith.constant 0 : i32
      %dma_wait3A_104 = tpu.memref_slice %arg6[%rem3A_101, %dma_wait3A_102, %dma_wait3A_103] : memref<2x2x512xi32, #tpu.memory_space<vmem>> -> memref<1x2x512xi32, #tpu.memory_space<vmem>>
      %dma_wait3A_105 = tpu.memref_squeeze %dma_wait3A_104 : memref<1x2x512xi32, #tpu.memory_space<vmem>> -> memref<2x512xi32, #tpu.memory_space<vmem>>
      %dma_wait3A_106 = arith.constant 0 : i32
      %dma_wait3A_107 = arith.constant 0 : i32
      %dma_wait3A_108 = tpu.memref_slice %arg3[%dma_wait3A_106, %dma_wait3A_107] : memref<512x512xi32, #tpu.memory_space<hbm>> -> memref<2x512xi32, #tpu.memory_space<hbm>>
      %dma_wait3A_109 = tpu.memref_slice %arg8[%rem3A_101] : memref<2x!tpu.dma_semaphore, #tpu.memory_space<semaphore_mem>> -> memref<1x!tpu.dma_semaphore, #tpu.memory_space<semaphore_mem>>
      %dma_wait3A_110 = tpu.memref_squeeze %dma_wait3A_109 : memref<1x!tpu.dma_semaphore, #tpu.memory_space<semaphore_mem>> -> memref<!tpu.dma_semaphore, #tpu.memory_space<semaphore_mem>>
      %dma_wait3A_111 = arith.constant 0 : i32
      %dma_wait3A_112 = arith.constant 0 : i32
      %dma_wait3A_113 = tpu.memref_slice %arg6[%rem3A_101, %dma_wait3A_111, %dma_wait3A_112] : memref<2x2x512xi32, #tpu.memory_space<vmem>> -> memref<1x2x512xi32, #tpu.memory_space<vmem>>
      %dma_wait3A_114 = tpu.memref_squeeze %dma_wait3A_113 : memref<1x2x512xi32, #tpu.memory_space<vmem>> -> memref<2x512xi32, #tpu.memory_space<vmem>>
      %dma_wait3A_115 = arith.constant 0 : i32
      %dma_wait3A_116 = arith.constant 0 : i32
      %dma_wait3A_117 = tpu.memref_slice %arg3[%dma_wait3A_115, %dma_wait3A_116] : memref<512x512xi32, #tpu.memory_space<hbm>> -> memref<2x512xi32, #tpu.memory_space<hbm>>
      tpu.wait_dma2 semaphore(%dma_wait3A_110 : memref<!tpu.dma_semaphore, #tpu.memory_space<semaphore_mem>>) src(%dma_wait3A_117 : memref<2x512xi32, #tpu.memory_space<hbm>>) dst(%dma_wait3A_114 : memref<2x512xi32, #tpu.memory_space<vmem>>)
      %ge3A = arith.constant 2 : i32
      %ge3A_118 = arith.cmpi sge, %scan3A_97, %ge3A : i32
      %convert_element_type3A = arith.extui %ge3A_118 : i1 to i32
      %cond3A = arith.constant 0 : i32
      %cond3A_119 = arith.cmpi ne, %convert_element_type3A, %cond3A : i32
      scf.if %cond3A_119 {
        %sub3A = arith.constant 2 : i32
        %sub3A_154 = arith.subi %scan3A_97, %sub3A : i32
        %rem3A_155 = arith.constant 2 : i32
        %rem3A_156 = arith.remsi %sub3A_154, %rem3A_155 : i32
        %mul3A_157 = arith.constant 2 : i32
        %mul3A_158 = arith.muli %sub3A_154, %mul3A_157 : i32
        %add3A_159 = arith.addi %mul3A_4, %mul3A_158 : i32
        %dma_wait3A_160 = arith.constant 0 : i32
        %dma_wait3A_161 = arith.constant 0 : i32
        %dma_wait3A_162 = arith.constant 0 : i32
        %dma_wait3A_163 = arith.constant 0 : i32
        %dma_wait3A_164 = tpu.memref_slice %arg7[%rem3A_156, %dma_wait3A_161, %dma_wait3A_162, %dma_wait3A_163] : memref<2x16x2x512xf32, #tpu.memory_space<vmem>> -> memref<1x16x2x512xf32, #tpu.memory_space<vmem>>
        %dma_wait3A_165 = tpu.memref_squeeze %dma_wait3A_164 : memref<1x16x2x512xf32, #tpu.memory_space<vmem>> -> memref<16x2x512xf32, #tpu.memory_space<vmem>>
        %dma_wait3A_166 = arith.constant 0 : i32
        %dma_wait3A_167 = arith.constant 0 : i32
        %dma_wait3A_168 = tpu.memref_slice %arg4[%dma_wait3A_160, %dma_wait3A_166, %add3A_159, %dma_wait3A_167] : memref<1x16x512x512xf32, #tpu.memory_space<hbm>> -> memref<1x16x2x512xf32, #tpu.memory_space<hbm>>
        %dma_wait3A_169 = tpu.memref_squeeze %dma_wait3A_168 : memref<1x16x2x512xf32, #tpu.memory_space<hbm>> -> memref<16x2x512xf32, #tpu.memory_space<hbm>>
        %dma_wait3A_170 = tpu.memref_slice %arg9[%rem3A_156] : memref<2x!tpu.dma_semaphore, #tpu.memory_space<semaphore_mem>> -> memref<1x!tpu.dma_semaphore, #tpu.memory_space<semaphore_mem>>
        %dma_wait3A_171 = tpu.memref_squeeze %dma_wait3A_170 : memref<1x!tpu.dma_semaphore, #tpu.memory_space<semaphore_mem>> -> memref<!tpu.dma_semaphore, #tpu.memory_space<semaphore_mem>>
        %dma_wait3A_172 = arith.constant 0 : i32
        %dma_wait3A_173 = arith.constant 0 : i32
        %dma_wait3A_174 = tpu.memref_slice %arg4[%dma_wait3A_160, %dma_wait3A_172, %add3A_159, %dma_wait3A_173] : memref<1x16x512x512xf32, #tpu.memory_space<hbm>> -> memref<1x16x2x512xf32, #tpu.memory_space<hbm>>
        %dma_wait3A_175 = tpu.memref_squeeze %dma_wait3A_174 : memref<1x16x2x512xf32, #tpu.memory_space<hbm>> -> memref<16x2x512xf32, #tpu.memory_space<hbm>>
        %dma_wait3A_176 = arith.constant 0 : i32
        %dma_wait3A_177 = arith.constant 0 : i32
        %dma_wait3A_178 = arith.constant 0 : i32
        %dma_wait3A_179 = tpu.memref_slice %arg7[%rem3A_156, %dma_wait3A_176, %dma_wait3A_177, %dma_wait3A_178] : memref<2x16x2x512xf32, #tpu.memory_space<vmem>> -> memref<1x16x2x512xf32, #tpu.memory_space<vmem>>
        %dma_wait3A_180 = tpu.memref_squeeze %dma_wait3A_179 : memref<1x16x2x512xf32, #tpu.memory_space<vmem>> -> memref<16x2x512xf32, #tpu.memory_space<vmem>>
        tpu.wait_dma2 semaphore(%dma_wait3A_171 : memref<!tpu.dma_semaphore, #tpu.memory_space<semaphore_mem>>) src(%dma_wait3A_180 : memref<16x2x512xf32, #tpu.memory_space<vmem>>) dst(%dma_wait3A_175 : memref<16x2x512xf32, #tpu.memory_space<hbm>>)
      } else {
      }
      %parallel_loop3A = arith.constant 0 : i32
      %parallel_loop3A_120 = arith.constant 32 : i32
      %parallel_loop3A_121 = arith.constant 1 : i32
      scf.for %parallel_loop3A_154 = %parallel_loop3A to %parallel_loop3A_120 step %parallel_loop3A_121  : i32 {
        %parallel_loop3A_155 = arith.constant 16 : i32
        %parallel_loop3A_156 = arith.muli %parallel_loop3A_154, %parallel_loop3A_155 : i32
        %parallel_loop3A_157 = arith.constant 0 : i32
        %parallel_loop3A_158 = arith.index_cast %rem3A_99 : i32 to index
        %parallel_loop3A_159 = arith.index_cast %parallel_loop3A_157 : i32 to index
        %parallel_loop3A_160 = arith.index_cast %parallel_loop3A_156 : i32 to index
        %parallel_loop3A_161 = tpu.vector_load %arg6[%parallel_loop3A_158, %parallel_loop3A_159, %parallel_loop3A_160] {strides = array<i32>} : memref<2x2x512xi32, #tpu.memory_space<vmem>>, vector<16xi32>,
        %parallel_loop3A_162 = arith.constant 0 : i32
        %parallel_loop3A_163 = vector.broadcast %parallel_loop3A_162 : i32 to vector<16xi32>
        %parallel_loop3A_164 = arith.addi %parallel_loop3A_161, %parallel_loop3A_163 : vector<16xi32>
        %parallel_loop3A_165 = tpu.vector_load_idx %arg5[%parallel_loop3A_164] : memref<54000xf32, #tpu.memory_space<vmem>>[vector<16xi32>], vector<16xf32>,
        %parallel_loop3A_166 = arith.constant 16 : i32
        %parallel_loop3A_167 = arith.muli %parallel_loop3A_154, %parallel_loop3A_166 : i32
        %parallel_loop3A_168 = arith.constant 0 : i32
        %parallel_loop3A_169 = arith.constant 0 : i32
        %parallel_loop3A_170 = arith.index_cast %rem3A_99 : i32 to index
        %parallel_loop3A_171 = arith.index_cast %parallel_loop3A_168 : i32 to index
        %parallel_loop3A_172 = arith.index_cast %parallel_loop3A_169 : i32 to index
        %parallel_loop3A_173 = arith.index_cast %parallel_loop3A_167 : i32 to index
        %parallel_loop3A_174 = tpu.vector_load %arg7[%parallel_loop3A_170, %parallel_loop3A_171, %parallel_loop3A_172, %parallel_loop3A_173] {strides = array<i32>} : memref<2x16x2x512xf32, #tpu.memory_space<vmem>>, vector<16xf32>,
        tpu.vector_store %arg7[%parallel_loop3A_170, %parallel_loop3A_171, %parallel_loop3A_172, %parallel_loop3A_173], %parallel_loop3A_165 {strides = array<i32>} : memref<2x16x2x512xf32, #tpu.memory_space<vmem>>, vector<16xf32>,
        %parallel_loop3A_175 = arith.constant 3375 : i32
        %parallel_loop3A_176 = vector.broadcast %parallel_loop3A_175 : i32 to vector<16xi32>
        %parallel_loop3A_177 = arith.addi %parallel_loop3A_161, %parallel_loop3A_176 : vector<16xi32>
        %parallel_loop3A_178 = tpu.vector_load_idx %arg5[%parallel_loop3A_177] : memref<54000xf32, #tpu.memory_space<vmem>>[vector<16xi32>], vector<16xf32>,
        %parallel_loop3A_179 = arith.constant 16 : i32
        %parallel_loop3A_180 = arith.muli %parallel_loop3A_154, %parallel_loop3A_179 : i32
        %parallel_loop3A_181 = arith.constant 1 : i32
        %parallel_loop3A_182 = arith.constant 0 : i32
        %parallel_loop3A_183 = arith.index_cast %rem3A_99 : i32 to index
        %parallel_loop3A_184 = arith.index_cast %parallel_loop3A_181 : i32 to index
        %parallel_loop3A_185 = arith.index_cast %parallel_loop3A_182 : i32 to index
        %parallel_loop3A_186 = arith.index_cast %parallel_loop3A_180 : i32 to index
        %parallel_loop3A_187 = tpu.vector_load %arg7[%parallel_loop3A_183, %parallel_loop3A_184, %parallel_loop3A_185, %parallel_loop3A_186] {strides = array<i32>} : memref<2x16x2x512xf32, #tpu.memory_space<vmem>>, vector<16xf32>,
        tpu.vector_store %arg7[%parallel_loop3A_183, %parallel_loop3A_184, %parallel_loop3A_185, %parallel_loop3A_186], %parallel_loop3A_178 {strides = array<i32>} : memref<2x16x2x512xf32, #tpu.memory_space<vmem>>, vector<16xf32>,
        %parallel_loop3A_188 = arith.constant 6750 : i32
        %parallel_loop3A_189 = vector.broadcast %parallel_loop3A_188 : i32 to vector<16xi32>
        %parallel_loop3A_190 = arith.addi %parallel_loop3A_161, %parallel_loop3A_189 : vector<16xi32>
        %parallel_loop3A_191 = tpu.vector_load_idx %arg5[%parallel_loop3A_190] : memref<54000xf32, #tpu.memory_space<vmem>>[vector<16xi32>], vector<16xf32>,
        %parallel_loop3A_192 = arith.constant 16 : i32
        %parallel_loop3A_193 = arith.muli %parallel_loop3A_154, %parallel_loop3A_192 : i32
        %parallel_loop3A_194 = arith.constant 2 : i32
        %parallel_loop3A_195 = arith.constant 0 : i32
        %parallel_loop3A_196 = arith.index_cast %rem3A_99 : i32 to index
        %parallel_loop3A_197 = arith.index_cast %parallel_loop3A_194 : i32 to index
        %parallel_loop3A_198 = arith.index_cast %parallel_loop3A_195 : i32 to index
        %parallel_loop3A_199 = arith.index_cast %parallel_loop3A_193 : i32 to index
        %parallel_loop3A_200 = tpu.vector_load %arg7[%parallel_loop3A_196, %parallel_loop3A_197, %parallel_loop3A_198, %parallel_loop3A_199] {strides = array<i32>} : memref<2x16x2x512xf32, #tpu.memory_space<vmem>>, vector<16xf32>,
        tpu.vector_store %arg7[%parallel_loop3A_196, %parallel_loop3A_197, %parallel_loop3A_198, %parallel_loop3A_199], %parallel_loop3A_191 {strides = array<i32>} : memref<2x16x2x512xf32, #tpu.memory_space<vmem>>, vector<16xf32>,
        %parallel_loop3A_201 = arith.constant 10125 : i32
        %parallel_loop3A_202 = vector.broadcast %parallel_loop3A_201 : i32 to vector<16xi32>
        %parallel_loop3A_203 = arith.addi %parallel_loop3A_161, %parallel_loop3A_202 : vector<16xi32>
        %parallel_loop3A_204 = tpu.vector_load_idx %arg5[%parallel_loop3A_203] : memref<54000xf32, #tpu.memory_space<vmem>>[vector<16xi32>], vector<16xf32>,
        %parallel_loop3A_205 = arith.constant 16 : i32
        %parallel_loop3A_206 = arith.muli %parallel_loop3A_154, %parallel_loop3A_205 : i32
        %parallel_loop3A_207 = arith.constant 3 : i32
        %parallel_loop3A_208 = arith.constant 0 : i32
        %parallel_loop3A_209 = arith.index_cast %rem3A_99 : i32 to index
        %parallel_loop3A_210 = arith.index_cast %parallel_loop3A_207 : i32 to index
        %parallel_loop3A_211 = arith.index_cast %parallel_loop3A_208 : i32 to index
        %parallel_loop3A_212 = arith.index_cast %parallel_loop3A_206 : i32 to index
        %parallel_loop3A_213 = tpu.vector_load %arg7[%parallel_loop3A_209, %parallel_loop3A_210, %parallel_loop3A_211, %parallel_loop3A_212] {strides = array<i32>} : memref<2x16x2x512xf32, #tpu.memory_space<vmem>>, vector<16xf32>,
        tpu.vector_store %arg7[%parallel_loop3A_209, %parallel_loop3A_210, %parallel_loop3A_211, %parallel_loop3A_212], %parallel_loop3A_204 {strides = array<i32>} : memref<2x16x2x512xf32, #tpu.memory_space<vmem>>, vector<16xf32>,
        %parallel_loop3A_214 = arith.constant 13500 : i32
        %parallel_loop3A_215 = vector.broadcast %parallel_loop3A_214 : i32 to vector<16xi32>
        %parallel_loop3A_216 = arith.addi %parallel_loop3A_161, %parallel_loop3A_215 : vector<16xi32>
        %parallel_loop3A_217 = tpu.vector_load_idx %arg5[%parallel_loop3A_216] : memref<54000xf32, #tpu.memory_space<vmem>>[vector<16xi32>], vector<16xf32>,
        %parallel_loop3A_218 = arith.constant 16 : i32
        %parallel_loop3A_219 = arith.muli %parallel_loop3A_154, %parallel_loop3A_218 : i32
        %parallel_loop3A_220 = arith.constant 4 : i32
        %parallel_loop3A_221 = arith.constant 0 : i32
        %parallel_loop3A_222 = arith.index_cast %rem3A_99 : i32 to index
        %parallel_loop3A_223 = arith.index_cast %parallel_loop3A_220 : i32 to index
        %parallel_loop3A_224 = arith.index_cast %parallel_loop3A_221 : i32 to index
        %parallel_loop3A_225 = arith.index_cast %parallel_loop3A_219 : i32 to index
        %parallel_loop3A_226 = tpu.vector_load %arg7[%parallel_loop3A_222, %parallel_loop3A_223, %parallel_loop3A_224, %parallel_loop3A_225] {strides = array<i32>} : memref<2x16x2x512xf32, #tpu.memory_space<vmem>>, vector<16xf32>,
        tpu.vector_store %arg7[%parallel_loop3A_222, %parallel_loop3A_223, %parallel_loop3A_224, %parallel_loop3A_225], %parallel_loop3A_217 {strides = array<i32>} : memref<2x16x2x512xf32, #tpu.memory_space<vmem>>, vector<16xf32>,
        %parallel_loop3A_227 = arith.constant 16875 : i32
        %parallel_loop3A_228 = vector.broadcast %parallel_loop3A_227 : i32 to vector<16xi32>
        %parallel_loop3A_229 = arith.addi %parallel_loop3A_161, %parallel_loop3A_228 : vector<16xi32>
        %parallel_loop3A_230 = tpu.vector_load_idx %arg5[%parallel_loop3A_229] : memref<54000xf32, #tpu.memory_space<vmem>>[vector<16xi32>], vector<16xf32>,
        %parallel_loop3A_231 = arith.constant 16 : i32
        %parallel_loop3A_232 = arith.muli %parallel_loop3A_154, %parallel_loop3A_231 : i32
        %parallel_loop3A_233 = arith.constant 5 : i32
        %parallel_loop3A_234 = arith.constant 0 : i32
        %parallel_loop3A_235 = arith.index_cast %rem3A_99 : i32 to index
        %parallel_loop3A_236 = arith.index_cast %parallel_loop3A_233 : i32 to index
        %parallel_loop3A_237 = arith.index_cast %parallel_loop3A_234 : i32 to index
        %parallel_loop3A_238 = arith.index_cast %parallel_loop3A_232 : i32 to index
        %parallel_loop3A_239 = tpu.vector_load %arg7[%parallel_loop3A_235, %parallel_loop3A_236, %parallel_loop3A_237, %parallel_loop3A_238] {strides = array<i32>} : memref<2x16x2x512xf32, #tpu.memory_space<vmem>>, vector<16xf32>,
        tpu.vector_store %arg7[%parallel_loop3A_235, %parallel_loop3A_236, %parallel_loop3A_237, %parallel_loop3A_238], %parallel_loop3A_230 {strides = array<i32>} : memref<2x16x2x512xf32, #tpu.memory_space<vmem>>, vector<16xf32>,
        %parallel_loop3A_240 = arith.constant 20250 : i32
        %parallel_loop3A_241 = vector.broadcast %parallel_loop3A_240 : i32 to vector<16xi32>
        %parallel_loop3A_242 = arith.addi %parallel_loop3A_161, %parallel_loop3A_241 : vector<16xi32>
        %parallel_loop3A_243 = tpu.vector_load_idx %arg5[%parallel_loop3A_242] : memref<54000xf32, #tpu.memory_space<vmem>>[vector<16xi32>], vector<16xf32>,
        %parallel_loop3A_244 = arith.constant 16 : i32
        %parallel_loop3A_245 = arith.muli %parallel_loop3A_154, %parallel_loop3A_244 : i32
        %parallel_loop3A_246 = arith.constant 6 : i32
        %parallel_loop3A_247 = arith.constant 0 : i32
        %parallel_loop3A_248 = arith.index_cast %rem3A_99 : i32 to index
        %parallel_loop3A_249 = arith.index_cast %parallel_loop3A_246 : i32 to index
        %parallel_loop3A_250 = arith.index_cast %parallel_loop3A_247 : i32 to index
        %parallel_loop3A_251 = arith.index_cast %parallel_loop3A_245 : i32 to index
        %parallel_loop3A_252 = tpu.vector_load %arg7[%parallel_loop3A_248, %parallel_loop3A_249, %parallel_loop3A_250, %parallel_loop3A_251] {strides = array<i32>} : memref<2x16x2x512xf32, #tpu.memory_space<vmem>>, vector<16xf32>,
        tpu.vector_store %arg7[%parallel_loop3A_248, %parallel_loop3A_249, %parallel_loop3A_250, %parallel_loop3A_251], %parallel_loop3A_243 {strides = array<i32>} : memref<2x16x2x512xf32, #tpu.memory_space<vmem>>, vector<16xf32>,
        %parallel_loop3A_253 = arith.constant 23625 : i32
        %parallel_loop3A_254 = vector.broadcast %parallel_loop3A_253 : i32 to vector<16xi32>
        %parallel_loop3A_255 = arith.addi %parallel_loop3A_161, %parallel_loop3A_254 : vector<16xi32>
        %parallel_loop3A_256 = tpu.vector_load_idx %arg5[%parallel_loop3A_255] : memref<54000xf32, #tpu.memory_space<vmem>>[vector<16xi32>], vector<16xf32>,
        %parallel_loop3A_257 = arith.constant 16 : i32
        %parallel_loop3A_258 = arith.muli %parallel_loop3A_154, %parallel_loop3A_257 : i32
        %parallel_loop3A_259 = arith.constant 7 : i32
        %parallel_loop3A_260 = arith.constant 0 : i32
        %parallel_loop3A_261 = arith.index_cast %rem3A_99 : i32 to index
        %parallel_loop3A_262 = arith.index_cast %parallel_loop3A_259 : i32 to index
        %parallel_loop3A_263 = arith.index_cast %parallel_loop3A_260 : i32 to index
        %parallel_loop3A_264 = arith.index_cast %parallel_loop3A_258 : i32 to index
        %parallel_loop3A_265 = tpu.vector_load %arg7[%parallel_loop3A_261, %parallel_loop3A_262, %parallel_loop3A_263, %parallel_loop3A_264] {strides = array<i32>} : memref<2x16x2x512xf32, #tpu.memory_space<vmem>>, vector<16xf32>,
        tpu.vector_store %arg7[%parallel_loop3A_261, %parallel_loop3A_262, %parallel_loop3A_263, %parallel_loop3A_264], %parallel_loop3A_256 {strides = array<i32>} : memref<2x16x2x512xf32, #tpu.memory_space<vmem>>, vector<16xf32>,
        %parallel_loop3A_266 = arith.constant 27000 : i32
        %parallel_loop3A_267 = vector.broadcast %parallel_loop3A_266 : i32 to vector<16xi32>
        %parallel_loop3A_268 = arith.addi %parallel_loop3A_161, %parallel_loop3A_267 : vector<16xi32>
        %parallel_loop3A_269 = tpu.vector_load_idx %arg5[%parallel_loop3A_268] : memref<54000xf32, #tpu.memory_space<vmem>>[vector<16xi32>], vector<16xf32>,
        %parallel_loop3A_270 = arith.constant 16 : i32
        %parallel_loop3A_271 = arith.muli %parallel_loop3A_154, %parallel_loop3A_270 : i32
        %parallel_loop3A_272 = arith.constant 8 : i32
        %parallel_loop3A_273 = arith.constant 0 : i32
        %parallel_loop3A_274 = arith.index_cast %rem3A_99 : i32 to index
        %parallel_loop3A_275 = arith.index_cast %parallel_loop3A_272 : i32 to index
        %parallel_loop3A_276 = arith.index_cast %parallel_loop3A_273 : i32 to index
        %parallel_loop3A_277 = arith.index_cast %parallel_loop3A_271 : i32 to index
        %parallel_loop3A_278 = tpu.vector_load %arg7[%parallel_loop3A_274, %parallel_loop3A_275, %parallel_loop3A_276, %parallel_loop3A_277] {strides = array<i32>} : memref<2x16x2x512xf32, #tpu.memory_space<vmem>>, vector<16xf32>,
        tpu.vector_store %arg7[%parallel_loop3A_274, %parallel_loop3A_275, %parallel_loop3A_276, %parallel_loop3A_277], %parallel_loop3A_269 {strides = array<i32>} : memref<2x16x2x512xf32, #tpu.memory_space<vmem>>, vector<16xf32>,
        %parallel_loop3A_279 = arith.constant 30375 : i32
        %parallel_loop3A_280 = vector.broadcast %parallel_loop3A_279 : i32 to vector<16xi32>
        %parallel_loop3A_281 = arith.addi %parallel_loop3A_161, %parallel_loop3A_280 : vector<16xi32>
        %parallel_loop3A_282 = tpu.vector_load_idx %arg5[%parallel_loop3A_281] : memref<54000xf32, #tpu.memory_space<vmem>>[vector<16xi32>], vector<16xf32>,
        %parallel_loop3A_283 = arith.constant 16 : i32
        %parallel_loop3A_284 = arith.muli %parallel_loop3A_154, %parallel_loop3A_283 : i32
        %parallel_loop3A_285 = arith.constant 9 : i32
        %parallel_loop3A_286 = arith.constant 0 : i32
        %parallel_loop3A_287 = arith.index_cast %rem3A_99 : i32 to index
        %parallel_loop3A_288 = arith.index_cast %parallel_loop3A_285 : i32 to index
        %parallel_loop3A_289 = arith.index_cast %parallel_loop3A_286 : i32 to index
        %parallel_loop3A_290 = arith.index_cast %parallel_loop3A_284 : i32 to index
        %parallel_loop3A_291 = tpu.vector_load %arg7[%parallel_loop3A_287, %parallel_loop3A_288, %parallel_loop3A_289, %parallel_loop3A_290] {strides = array<i32>} : memref<2x16x2x512xf32, #tpu.memory_space<vmem>>, vector<16xf32>,
        tpu.vector_store %arg7[%parallel_loop3A_287, %parallel_loop3A_288, %parallel_loop3A_289, %parallel_loop3A_290], %parallel_loop3A_282 {strides = array<i32>} : memref<2x16x2x512xf32, #tpu.memory_space<vmem>>, vector<16xf32>,
        %parallel_loop3A_292 = arith.constant 33750 : i32
        %parallel_loop3A_293 = vector.broadcast %parallel_loop3A_292 : i32 to vector<16xi32>
        %parallel_loop3A_294 = arith.addi %parallel_loop3A_161, %parallel_loop3A_293 : vector<16xi32>
        %parallel_loop3A_295 = tpu.vector_load_idx %arg5[%parallel_loop3A_294] : memref<54000xf32, #tpu.memory_space<vmem>>[vector<16xi32>], vector<16xf32>,
        %parallel_loop3A_296 = arith.constant 16 : i32
        %parallel_loop3A_297 = arith.muli %parallel_loop3A_154, %parallel_loop3A_296 : i32
        %parallel_loop3A_298 = arith.constant 10 : i32
        %parallel_loop3A_299 = arith.constant 0 : i32
        %parallel_loop3A_300 = arith.index_cast %rem3A_99 : i32 to index
        %parallel_loop3A_301 = arith.index_cast %parallel_loop3A_298 : i32 to index
        %parallel_loop3A_302 = arith.index_cast %parallel_loop3A_299 : i32 to index
        %parallel_loop3A_303 = arith.index_cast %parallel_loop3A_297 : i32 to index
        %parallel_loop3A_304 = tpu.vector_load %arg7[%parallel_loop3A_300, %parallel_loop3A_301, %parallel_loop3A_302, %parallel_loop3A_303] {strides = array<i32>} : memref<2x16x2x512xf32, #tpu.memory_space<vmem>>, vector<16xf32>,
        tpu.vector_store %arg7[%parallel_loop3A_300, %parallel_loop3A_301, %parallel_loop3A_302, %parallel_loop3A_303], %parallel_loop3A_295 {strides = array<i32>} : memref<2x16x2x512xf32, #tpu.memory_space<vmem>>, vector<16xf32>,
        %parallel_loop3A_305 = arith.constant 37125 : i32
        %parallel_loop3A_306 = vector.broadcast %parallel_loop3A_305 : i32 to vector<16xi32>
        %parallel_loop3A_307 = arith.addi %parallel_loop3A_161, %parallel_loop3A_306 : vector<16xi32>
        %parallel_loop3A_308 = tpu.vector_load_idx %arg5[%parallel_loop3A_307] : memref<54000xf32, #tpu.memory_space<vmem>>[vector<16xi32>], vector<16xf32>,
        %parallel_loop3A_309 = arith.constant 16 : i32
        %parallel_loop3A_310 = arith.muli %parallel_loop3A_154, %parallel_loop3A_309 : i32
        %parallel_loop3A_311 = arith.constant 11 : i32
        %parallel_loop3A_312 = arith.constant 0 : i32
        %parallel_loop3A_313 = arith.index_cast %rem3A_99 : i32 to index
        %parallel_loop3A_314 = arith.index_cast %parallel_loop3A_311 : i32 to index
        %parallel_loop3A_315 = arith.index_cast %parallel_loop3A_312 : i32 to index
        %parallel_loop3A_316 = arith.index_cast %parallel_loop3A_310 : i32 to index
        %parallel_loop3A_317 = tpu.vector_load %arg7[%parallel_loop3A_313, %parallel_loop3A_314, %parallel_loop3A_315, %parallel_loop3A_316] {strides = array<i32>} : memref<2x16x2x512xf32, #tpu.memory_space<vmem>>, vector<16xf32>,
        tpu.vector_store %arg7[%parallel_loop3A_313, %parallel_loop3A_314, %parallel_loop3A_315, %parallel_loop3A_316], %parallel_loop3A_308 {strides = array<i32>} : memref<2x16x2x512xf32, #tpu.memory_space<vmem>>, vector<16xf32>,
        %parallel_loop3A_318 = arith.constant 40500 : i32
        %parallel_loop3A_319 = vector.broadcast %parallel_loop3A_318 : i32 to vector<16xi32>
        %parallel_loop3A_320 = arith.addi %parallel_loop3A_161, %parallel_loop3A_319 : vector<16xi32>
        %parallel_loop3A_321 = tpu.vector_load_idx %arg5[%parallel_loop3A_320] : memref<54000xf32, #tpu.memory_space<vmem>>[vector<16xi32>], vector<16xf32>,
        %parallel_loop3A_322 = arith.constant 16 : i32
        %parallel_loop3A_323 = arith.muli %parallel_loop3A_154, %parallel_loop3A_322 : i32
        %parallel_loop3A_324 = arith.constant 12 : i32
        %parallel_loop3A_325 = arith.constant 0 : i32
        %parallel_loop3A_326 = arith.index_cast %rem3A_99 : i32 to index
        %parallel_loop3A_327 = arith.index_cast %parallel_loop3A_324 : i32 to index
        %parallel_loop3A_328 = arith.index_cast %parallel_loop3A_325 : i32 to index
        %parallel_loop3A_329 = arith.index_cast %parallel_loop3A_323 : i32 to index
        %parallel_loop3A_330 = tpu.vector_load %arg7[%parallel_loop3A_326, %parallel_loop3A_327, %parallel_loop3A_328, %parallel_loop3A_329] {strides = array<i32>} : memref<2x16x2x512xf32, #tpu.memory_space<vmem>>, vector<16xf32>,
        tpu.vector_store %arg7[%parallel_loop3A_326, %parallel_loop3A_327, %parallel_loop3A_328, %parallel_loop3A_329], %parallel_loop3A_321 {strides = array<i32>} : memref<2x16x2x512xf32, #tpu.memory_space<vmem>>, vector<16xf32>,
        %parallel_loop3A_331 = arith.constant 43875 : i32
        %parallel_loop3A_332 = vector.broadcast %parallel_loop3A_331 : i32 to vector<16xi32>
        %parallel_loop3A_333 = arith.addi %parallel_loop3A_161, %parallel_loop3A_332 : vector<16xi32>
        %parallel_loop3A_334 = tpu.vector_load_idx %arg5[%parallel_loop3A_333] : memref<54000xf32, #tpu.memory_space<vmem>>[vector<16xi32>], vector<16xf32>,
        %parallel_loop3A_335 = arith.constant 16 : i32
        %parallel_loop3A_336 = arith.muli %parallel_loop3A_154, %parallel_loop3A_335 : i32
        %parallel_loop3A_337 = arith.constant 13 : i32
        %parallel_loop3A_338 = arith.constant 0 : i32
        %parallel_loop3A_339 = arith.index_cast %rem3A_99 : i32 to index
        %parallel_loop3A_340 = arith.index_cast %parallel_loop3A_337 : i32 to index
        %parallel_loop3A_341 = arith.index_cast %parallel_loop3A_338 : i32 to index
        %parallel_loop3A_342 = arith.index_cast %parallel_loop3A_336 : i32 to index
        %parallel_loop3A_343 = tpu.vector_load %arg7[%parallel_loop3A_339, %parallel_loop3A_340, %parallel_loop3A_341, %parallel_loop3A_342] {strides = array<i32>} : memref<2x16x2x512xf32, #tpu.memory_space<vmem>>, vector<16xf32>,
        tpu.vector_store %arg7[%parallel_loop3A_339, %parallel_loop3A_340, %parallel_loop3A_341, %parallel_loop3A_342], %parallel_loop3A_334 {strides = array<i32>} : memref<2x16x2x512xf32, #tpu.memory_space<vmem>>, vector<16xf32>,
        %parallel_loop3A_344 = arith.constant 47250 : i32
        %parallel_loop3A_345 = vector.broadcast %parallel_loop3A_344 : i32 to vector<16xi32>
        %parallel_loop3A_346 = arith.addi %parallel_loop3A_161, %parallel_loop3A_345 : vector<16xi32>
        %parallel_loop3A_347 = tpu.vector_load_idx %arg5[%parallel_loop3A_346] : memref<54000xf32, #tpu.memory_space<vmem>>[vector<16xi32>], vector<16xf32>,
        %parallel_loop3A_348 = arith.constant 16 : i32
        %parallel_loop3A_349 = arith.muli %parallel_loop3A_154, %parallel_loop3A_348 : i32
        %parallel_loop3A_350 = arith.constant 14 : i32
        %parallel_loop3A_351 = arith.constant 0 : i32
        %parallel_loop3A_352 = arith.index_cast %rem3A_99 : i32 to index
        %parallel_loop3A_353 = arith.index_cast %parallel_loop3A_350 : i32 to index
        %parallel_loop3A_354 = arith.index_cast %parallel_loop3A_351 : i32 to index
        %parallel_loop3A_355 = arith.index_cast %parallel_loop3A_349 : i32 to index
        %parallel_loop3A_356 = tpu.vector_load %arg7[%parallel_loop3A_352, %parallel_loop3A_353, %parallel_loop3A_354, %parallel_loop3A_355] {strides = array<i32>} : memref<2x16x2x512xf32, #tpu.memory_space<vmem>>, vector<16xf32>,
        tpu.vector_store %arg7[%parallel_loop3A_352, %parallel_loop3A_353, %parallel_loop3A_354, %parallel_loop3A_355], %parallel_loop3A_347 {strides = array<i32>} : memref<2x16x2x512xf32, #tpu.memory_space<vmem>>, vector<16xf32>,
        %parallel_loop3A_357 = arith.constant 50625 : i32
        %parallel_loop3A_358 = vector.broadcast %parallel_loop3A_357 : i32 to vector<16xi32>
        %parallel_loop3A_359 = arith.addi %parallel_loop3A_161, %parallel_loop3A_358 : vector<16xi32>
        %parallel_loop3A_360 = tpu.vector_load_idx %arg5[%parallel_loop3A_359] : memref<54000xf32, #tpu.memory_space<vmem>>[vector<16xi32>], vector<16xf32>,
        %parallel_loop3A_361 = arith.constant 16 : i32
        %parallel_loop3A_362 = arith.muli %parallel_loop3A_154, %parallel_loop3A_361 : i32
        %parallel_loop3A_363 = arith.constant 15 : i32
        %parallel_loop3A_364 = arith.constant 0 : i32
        %parallel_loop3A_365 = arith.index_cast %rem3A_99 : i32 to index
        %parallel_loop3A_366 = arith.index_cast %parallel_loop3A_363 : i32 to index
        %parallel_loop3A_367 = arith.index_cast %parallel_loop3A_364 : i32 to index
        %parallel_loop3A_368 = arith.index_cast %parallel_loop3A_362 : i32 to index
        %parallel_loop3A_369 = tpu.vector_load %arg7[%parallel_loop3A_365, %parallel_loop3A_366, %parallel_loop3A_367, %parallel_loop3A_368] {strides = array<i32>} : memref<2x16x2x512xf32, #tpu.memory_space<vmem>>, vector<16xf32>,
        tpu.vector_store %arg7[%parallel_loop3A_365, %parallel_loop3A_366, %parallel_loop3A_367, %parallel_loop3A_368], %parallel_loop3A_360 {strides = array<i32>} : memref<2x16x2x512xf32, #tpu.memory_space<vmem>>, vector<16xf32>,
        %parallel_loop3A_370 = arith.constant 16 : i32
        %parallel_loop3A_371 = arith.muli %parallel_loop3A_154, %parallel_loop3A_370 : i32
        %parallel_loop3A_372 = arith.constant 1 : i32
        %parallel_loop3A_373 = arith.index_cast %rem3A_99 : i32 to index
        %parallel_loop3A_374 = arith.index_cast %parallel_loop3A_372 : i32 to index
        %parallel_loop3A_375 = arith.index_cast %parallel_loop3A_371 : i32 to index
        %parallel_loop3A_376 = tpu.vector_load %arg6[%parallel_loop3A_373, %parallel_loop3A_374, %parallel_loop3A_375] {strides = array<i32>} : memref<2x2x512xi32, #tpu.memory_space<vmem>>, vector<16xi32>,
        %parallel_loop3A_377 = arith.constant 0 : i32
        %parallel_loop3A_378 = vector.broadcast %parallel_loop3A_377 : i32 to vector<16xi32>
        %parallel_loop3A_379 = arith.addi %parallel_loop3A_376, %parallel_loop3A_378 : vector<16xi32>
        %parallel_loop3A_380 = tpu.vector_load_idx %arg5[%parallel_loop3A_379] : memref<54000xf32, #tpu.memory_space<vmem>>[vector<16xi32>], vector<16xf32>,
        %parallel_loop3A_381 = arith.constant 16 : i32
        %parallel_loop3A_382 = arith.muli %parallel_loop3A_154, %parallel_loop3A_381 : i32
        %parallel_loop3A_383 = arith.constant 0 : i32
        %parallel_loop3A_384 = arith.constant 1 : i32
        %parallel_loop3A_385 = arith.index_cast %rem3A_99 : i32 to index
        %parallel_loop3A_386 = arith.index_cast %parallel_loop3A_383 : i32 to index
        %parallel_loop3A_387 = arith.index_cast %parallel_loop3A_384 : i32 to index
        %parallel_loop3A_388 = arith.index_cast %parallel_loop3A_382 : i32 to index
        %parallel_loop3A_389 = tpu.vector_load %arg7[%parallel_loop3A_385, %parallel_loop3A_386, %parallel_loop3A_387, %parallel_loop3A_388] {strides = array<i32>} : memref<2x16x2x512xf32, #tpu.memory_space<vmem>>, vector<16xf32>,
        tpu.vector_store %arg7[%parallel_loop3A_385, %parallel_loop3A_386, %parallel_loop3A_387, %parallel_loop3A_388], %parallel_loop3A_380 {strides = array<i32>} : memref<2x16x2x512xf32, #tpu.memory_space<vmem>>, vector<16xf32>,
        %parallel_loop3A_390 = arith.constant 3375 : i32
        %parallel_loop3A_391 = vector.broadcast %parallel_loop3A_390 : i32 to vector<16xi32>
        %parallel_loop3A_392 = arith.addi %parallel_loop3A_376, %parallel_loop3A_391 : vector<16xi32>
        %parallel_loop3A_393 = tpu.vector_load_idx %arg5[%parallel_loop3A_392] : memref<54000xf32, #tpu.memory_space<vmem>>[vector<16xi32>], vector<16xf32>,
        %parallel_loop3A_394 = arith.constant 16 : i32
        %parallel_loop3A_395 = arith.muli %parallel_loop3A_154, %parallel_loop3A_394 : i32
        %parallel_loop3A_396 = arith.constant 1 : i32
        %parallel_loop3A_397 = arith.constant 1 : i32
        %parallel_loop3A_398 = arith.index_cast %rem3A_99 : i32 to index
        %parallel_loop3A_399 = arith.index_cast %parallel_loop3A_396 : i32 to index
        %parallel_loop3A_400 = arith.index_cast %parallel_loop3A_397 : i32 to index
        %parallel_loop3A_401 = arith.index_cast %parallel_loop3A_395 : i32 to index
        %parallel_loop3A_402 = tpu.vector_load %arg7[%parallel_loop3A_398, %parallel_loop3A_399, %parallel_loop3A_400, %parallel_loop3A_401] {strides = array<i32>} : memref<2x16x2x512xf32, #tpu.memory_space<vmem>>, vector<16xf32>,
        tpu.vector_store %arg7[%parallel_loop3A_398, %parallel_loop3A_399, %parallel_loop3A_400, %parallel_loop3A_401], %parallel_loop3A_393 {strides = array<i32>} : memref<2x16x2x512xf32, #tpu.memory_space<vmem>>, vector<16xf32>,
        %parallel_loop3A_403 = arith.constant 6750 : i32
        %parallel_loop3A_404 = vector.broadcast %parallel_loop3A_403 : i32 to vector<16xi32>
        %parallel_loop3A_405 = arith.addi %parallel_loop3A_376, %parallel_loop3A_404 : vector<16xi32>
        %parallel_loop3A_406 = tpu.vector_load_idx %arg5[%parallel_loop3A_405] : memref<54000xf32, #tpu.memory_space<vmem>>[vector<16xi32>], vector<16xf32>,
        %parallel_loop3A_407 = arith.constant 16 : i32
        %parallel_loop3A_408 = arith.muli %parallel_loop3A_154, %parallel_loop3A_407 : i32
        %parallel_loop3A_409 = arith.constant 2 : i32
        %parallel_loop3A_410 = arith.constant 1 : i32
        %parallel_loop3A_411 = arith.index_cast %rem3A_99 : i32 to index
        %parallel_loop3A_412 = arith.index_cast %parallel_loop3A_409 : i32 to index
        %parallel_loop3A_413 = arith.index_cast %parallel_loop3A_410 : i32 to index
        %parallel_loop3A_414 = arith.index_cast %parallel_loop3A_408 : i32 to index
        %parallel_loop3A_415 = tpu.vector_load %arg7[%parallel_loop3A_411, %parallel_loop3A_412, %parallel_loop3A_413, %parallel_loop3A_414] {strides = array<i32>} : memref<2x16x2x512xf32, #tpu.memory_space<vmem>>, vector<16xf32>,
        tpu.vector_store %arg7[%parallel_loop3A_411, %parallel_loop3A_412, %parallel_loop3A_413, %parallel_loop3A_414], %parallel_loop3A_406 {strides = array<i32>} : memref<2x16x2x512xf32, #tpu.memory_space<vmem>>, vector<16xf32>,
        %parallel_loop3A_416 = arith.constant 10125 : i32
        %parallel_loop3A_417 = vector.broadcast %parallel_loop3A_416 : i32 to vector<16xi32>
        %parallel_loop3A_418 = arith.addi %parallel_loop3A_376, %parallel_loop3A_417 : vector<16xi32>
        %parallel_loop3A_419 = tpu.vector_load_idx %arg5[%parallel_loop3A_418] : memref<54000xf32, #tpu.memory_space<vmem>>[vector<16xi32>], vector<16xf32>,
        %parallel_loop3A_420 = arith.constant 16 : i32
        %parallel_loop3A_421 = arith.muli %parallel_loop3A_154, %parallel_loop3A_420 : i32
        %parallel_loop3A_422 = arith.constant 3 : i32
        %parallel_loop3A_423 = arith.constant 1 : i32
        %parallel_loop3A_424 = arith.index_cast %rem3A_99 : i32 to index
        %parallel_loop3A_425 = arith.index_cast %parallel_loop3A_422 : i32 to index
        %parallel_loop3A_426 = arith.index_cast %parallel_loop3A_423 : i32 to index
        %parallel_loop3A_427 = arith.index_cast %parallel_loop3A_421 : i32 to index
        %parallel_loop3A_428 = tpu.vector_load %arg7[%parallel_loop3A_424, %parallel_loop3A_425, %parallel_loop3A_426, %parallel_loop3A_427] {strides = array<i32>} : memref<2x16x2x512xf32, #tpu.memory_space<vmem>>, vector<16xf32>,
        tpu.vector_store %arg7[%parallel_loop3A_424, %parallel_loop3A_425, %parallel_loop3A_426, %parallel_loop3A_427], %parallel_loop3A_419 {strides = array<i32>} : memref<2x16x2x512xf32, #tpu.memory_space<vmem>>, vector<16xf32>,
        %parallel_loop3A_429 = arith.constant 13500 : i32
        %parallel_loop3A_430 = vector.broadcast %parallel_loop3A_429 : i32 to vector<16xi32>
        %parallel_loop3A_431 = arith.addi %parallel_loop3A_376, %parallel_loop3A_430 : vector<16xi32>
        %parallel_loop3A_432 = tpu.vector_load_idx %arg5[%parallel_loop3A_431] : memref<54000xf32, #tpu.memory_space<vmem>>[vector<16xi32>], vector<16xf32>,
        %parallel_loop3A_433 = arith.constant 16 : i32
        %parallel_loop3A_434 = arith.muli %parallel_loop3A_154, %parallel_loop3A_433 : i32
        %parallel_loop3A_435 = arith.constant 4 : i32
        %parallel_loop3A_436 = arith.constant 1 : i32
        %parallel_loop3A_437 = arith.index_cast %rem3A_99 : i32 to index
        %parallel_loop3A_438 = arith.index_cast %parallel_loop3A_435 : i32 to index
        %parallel_loop3A_439 = arith.index_cast %parallel_loop3A_436 : i32 to index
        %parallel_loop3A_440 = arith.index_cast %parallel_loop3A_434 : i32 to index
        %parallel_loop3A_441 = tpu.vector_load %arg7[%parallel_loop3A_437, %parallel_loop3A_438, %parallel_loop3A_439, %parallel_loop3A_440] {strides = array<i32>} : memref<2x16x2x512xf32, #tpu.memory_space<vmem>>, vector<16xf32>,
        tpu.vector_store %arg7[%parallel_loop3A_437, %parallel_loop3A_438, %parallel_loop3A_439, %parallel_loop3A_440], %parallel_loop3A_432 {strides = array<i32>} : memref<2x16x2x512xf32, #tpu.memory_space<vmem>>, vector<16xf32>,
        %parallel_loop3A_442 = arith.constant 16875 : i32
        %parallel_loop3A_443 = vector.broadcast %parallel_loop3A_442 : i32 to vector<16xi32>
        %parallel_loop3A_444 = arith.addi %parallel_loop3A_376, %parallel_loop3A_443 : vector<16xi32>
        %parallel_loop3A_445 = tpu.vector_load_idx %arg5[%parallel_loop3A_444] : memref<54000xf32, #tpu.memory_space<vmem>>[vector<16xi32>], vector<16xf32>,
        %parallel_loop3A_446 = arith.constant 16 : i32
        %parallel_loop3A_447 = arith.muli %parallel_loop3A_154, %parallel_loop3A_446 : i32
        %parallel_loop3A_448 = arith.constant 5 : i32
        %parallel_loop3A_449 = arith.constant 1 : i32
        %parallel_loop3A_450 = arith.index_cast %rem3A_99 : i32 to index
        %parallel_loop3A_451 = arith.index_cast %parallel_loop3A_448 : i32 to index
        %parallel_loop3A_452 = arith.index_cast %parallel_loop3A_449 : i32 to index
        %parallel_loop3A_453 = arith.index_cast %parallel_loop3A_447 : i32 to index
        %parallel_loop3A_454 = tpu.vector_load %arg7[%parallel_loop3A_450, %parallel_loop3A_451, %parallel_loop3A_452, %parallel_loop3A_453] {strides = array<i32>} : memref<2x16x2x512xf32, #tpu.memory_space<vmem>>, vector<16xf32>,
        tpu.vector_store %arg7[%parallel_loop3A_450, %parallel_loop3A_451, %parallel_loop3A_452, %parallel_loop3A_453], %parallel_loop3A_445 {strides = array<i32>} : memref<2x16x2x512xf32, #tpu.memory_space<vmem>>, vector<16xf32>,
        %parallel_loop3A_455 = arith.constant 20250 : i32
        %parallel_loop3A_456 = vector.broadcast %parallel_loop3A_455 : i32 to vector<16xi32>
        %parallel_loop3A_457 = arith.addi %parallel_loop3A_376, %parallel_loop3A_456 : vector<16xi32>
        %parallel_loop3A_458 = tpu.vector_load_idx %arg5[%parallel_loop3A_457] : memref<54000xf32, #tpu.memory_space<vmem>>[vector<16xi32>], vector<16xf32>,
        %parallel_loop3A_459 = arith.constant 16 : i32
        %parallel_loop3A_460 = arith.muli %parallel_loop3A_154, %parallel_loop3A_459 : i32
        %parallel_loop3A_461 = arith.constant 6 : i32
        %parallel_loop3A_462 = arith.constant 1 : i32
        %parallel_loop3A_463 = arith.index_cast %rem3A_99 : i32 to index
        %parallel_loop3A_464 = arith.index_cast %parallel_loop3A_461 : i32 to index
        %parallel_loop3A_465 = arith.index_cast %parallel_loop3A_462 : i32 to index
        %parallel_loop3A_466 = arith.index_cast %parallel_loop3A_460 : i32 to index
        %parallel_loop3A_467 = tpu.vector_load %arg7[%parallel_loop3A_463, %parallel_loop3A_464, %parallel_loop3A_465, %parallel_loop3A_466] {strides = array<i32>} : memref<2x16x2x512xf32, #tpu.memory_space<vmem>>, vector<16xf32>,
        tpu.vector_store %arg7[%parallel_loop3A_463, %parallel_loop3A_464, %parallel_loop3A_465, %parallel_loop3A_466], %parallel_loop3A_458 {strides = array<i32>} : memref<2x16x2x512xf32, #tpu.memory_space<vmem>>, vector<16xf32>,
        %parallel_loop3A_468 = arith.constant 23625 : i32
        %parallel_loop3A_469 = vector.broadcast %parallel_loop3A_468 : i32 to vector<16xi32>
        %parallel_loop3A_470 = arith.addi %parallel_loop3A_376, %parallel_loop3A_469 : vector<16xi32>
        %parallel_loop3A_471 = tpu.vector_load_idx %arg5[%parallel_loop3A_470] : memref<54000xf32, #tpu.memory_space<vmem>>[vector<16xi32>], vector<16xf32>,
        %parallel_loop3A_472 = arith.constant 16 : i32
        %parallel_loop3A_473 = arith.muli %parallel_loop3A_154, %parallel_loop3A_472 : i32
        %parallel_loop3A_474 = arith.constant 7 : i32
        %parallel_loop3A_475 = arith.constant 1 : i32
        %parallel_loop3A_476 = arith.index_cast %rem3A_99 : i32 to index
        %parallel_loop3A_477 = arith.index_cast %parallel_loop3A_474 : i32 to index
        %parallel_loop3A_478 = arith.index_cast %parallel_loop3A_475 : i32 to index
        %parallel_loop3A_479 = arith.index_cast %parallel_loop3A_473 : i32 to index
        %parallel_loop3A_480 = tpu.vector_load %arg7[%parallel_loop3A_476, %parallel_loop3A_477, %parallel_loop3A_478, %parallel_loop3A_479] {strides = array<i32>} : memref<2x16x2x512xf32, #tpu.memory_space<vmem>>, vector<16xf32>,
        tpu.vector_store %arg7[%parallel_loop3A_476, %parallel_loop3A_477, %parallel_loop3A_478, %parallel_loop3A_479], %parallel_loop3A_471 {strides = array<i32>} : memref<2x16x2x512xf32, #tpu.memory_space<vmem>>, vector<16xf32>,
        %parallel_loop3A_481 = arith.constant 27000 : i32
        %parallel_loop3A_482 = vector.broadcast %parallel_loop3A_481 : i32 to vector<16xi32>
        %parallel_loop3A_483 = arith.addi %parallel_loop3A_376, %parallel_loop3A_482 : vector<16xi32>
        %parallel_loop3A_484 = tpu.vector_load_idx %arg5[%parallel_loop3A_483] : memref<54000xf32, #tpu.memory_space<vmem>>[vector<16xi32>], vector<16xf32>,
        %parallel_loop3A_485 = arith.constant 16 : i32
        %parallel_loop3A_486 = arith.muli %parallel_loop3A_154, %parallel_loop3A_485 : i32
        %parallel_loop3A_487 = arith.constant 8 : i32
        %parallel_loop3A_488 = arith.constant 1 : i32
        %parallel_loop3A_489 = arith.index_cast %rem3A_99 : i32 to index
        %parallel_loop3A_490 = arith.index_cast %parallel_loop3A_487 : i32 to index
        %parallel_loop3A_491 = arith.index_cast %parallel_loop3A_488 : i32 to index
        %parallel_loop3A_492 = arith.index_cast %parallel_loop3A_486 : i32 to index
        %parallel_loop3A_493 = tpu.vector_load %arg7[%parallel_loop3A_489, %parallel_loop3A_490, %parallel_loop3A_491, %parallel_loop3A_492] {strides = array<i32>} : memref<2x16x2x512xf32, #tpu.memory_space<vmem>>, vector<16xf32>,
        tpu.vector_store %arg7[%parallel_loop3A_489, %parallel_loop3A_490, %parallel_loop3A_491, %parallel_loop3A_492], %parallel_loop3A_484 {strides = array<i32>} : memref<2x16x2x512xf32, #tpu.memory_space<vmem>>, vector<16xf32>,
        %parallel_loop3A_494 = arith.constant 30375 : i32
        %parallel_loop3A_495 = vector.broadcast %parallel_loop3A_494 : i32 to vector<16xi32>
        %parallel_loop3A_496 = arith.addi %parallel_loop3A_376, %parallel_loop3A_495 : vector<16xi32>
        %parallel_loop3A_497 = tpu.vector_load_idx %arg5[%parallel_loop3A_496] : memref<54000xf32, #tpu.memory_space<vmem>>[vector<16xi32>], vector<16xf32>,
        %parallel_loop3A_498 = arith.constant 16 : i32
        %parallel_loop3A_499 = arith.muli %parallel_loop3A_154, %parallel_loop3A_498 : i32
        %parallel_loop3A_500 = arith.constant 9 : i32
        %parallel_loop3A_501 = arith.constant 1 : i32
        %parallel_loop3A_502 = arith.index_cast %rem3A_99 : i32 to index
        %parallel_loop3A_503 = arith.index_cast %parallel_loop3A_500 : i32 to index
        %parallel_loop3A_504 = arith.index_cast %parallel_loop3A_501 : i32 to index
        %parallel_loop3A_505 = arith.index_cast %parallel_loop3A_499 : i32 to index
        %parallel_loop3A_506 = tpu.vector_load %arg7[%parallel_loop3A_502, %parallel_loop3A_503, %parallel_loop3A_504, %parallel_loop3A_505] {strides = array<i32>} : memref<2x16x2x512xf32, #tpu.memory_space<vmem>>, vector<16xf32>,
        tpu.vector_store %arg7[%parallel_loop3A_502, %parallel_loop3A_503, %parallel_loop3A_504, %parallel_loop3A_505], %parallel_loop3A_497 {strides = array<i32>} : memref<2x16x2x512xf32, #tpu.memory_space<vmem>>, vector<16xf32>,
        %parallel_loop3A_507 = arith.constant 33750 : i32
        %parallel_loop3A_508 = vector.broadcast %parallel_loop3A_507 : i32 to vector<16xi32>
        %parallel_loop3A_509 = arith.addi %parallel_loop3A_376, %parallel_loop3A_508 : vector<16xi32>
        %parallel_loop3A_510 = tpu.vector_load_idx %arg5[%parallel_loop3A_509] : memref<54000xf32, #tpu.memory_space<vmem>>[vector<16xi32>], vector<16xf32>,
        %parallel_loop3A_511 = arith.constant 16 : i32
        %parallel_loop3A_512 = arith.muli %parallel_loop3A_154, %parallel_loop3A_511 : i32
        %parallel_loop3A_513 = arith.constant 10 : i32
        %parallel_loop3A_514 = arith.constant 1 : i32
        %parallel_loop3A_515 = arith.index_cast %rem3A_99 : i32 to index
        %parallel_loop3A_516 = arith.index_cast %parallel_loop3A_513 : i32 to index
        %parallel_loop3A_517 = arith.index_cast %parallel_loop3A_514 : i32 to index
        %parallel_loop3A_518 = arith.index_cast %parallel_loop3A_512 : i32 to index
        %parallel_loop3A_519 = tpu.vector_load %arg7[%parallel_loop3A_515, %parallel_loop3A_516, %parallel_loop3A_517, %parallel_loop3A_518] {strides = array<i32>} : memref<2x16x2x512xf32, #tpu.memory_space<vmem>>, vector<16xf32>,
        tpu.vector_store %arg7[%parallel_loop3A_515, %parallel_loop3A_516, %parallel_loop3A_517, %parallel_loop3A_518], %parallel_loop3A_510 {strides = array<i32>} : memref<2x16x2x512xf32, #tpu.memory_space<vmem>>, vector<16xf32>,
        %parallel_loop3A_520 = arith.constant 37125 : i32
        %parallel_loop3A_521 = vector.broadcast %parallel_loop3A_520 : i32 to vector<16xi32>
        %parallel_loop3A_522 = arith.addi %parallel_loop3A_376, %parallel_loop3A_521 : vector<16xi32>
        %parallel_loop3A_523 = tpu.vector_load_idx %arg5[%parallel_loop3A_522] : memref<54000xf32, #tpu.memory_space<vmem>>[vector<16xi32>], vector<16xf32>,
        %parallel_loop3A_524 = arith.constant 16 : i32
        %parallel_loop3A_525 = arith.muli %parallel_loop3A_154, %parallel_loop3A_524 : i32
        %parallel_loop3A_526 = arith.constant 11 : i32
        %parallel_loop3A_527 = arith.constant 1 : i32
        %parallel_loop3A_528 = arith.index_cast %rem3A_99 : i32 to index
        %parallel_loop3A_529 = arith.index_cast %parallel_loop3A_526 : i32 to index
        %parallel_loop3A_530 = arith.index_cast %parallel_loop3A_527 : i32 to index
        %parallel_loop3A_531 = arith.index_cast %parallel_loop3A_525 : i32 to index
        %parallel_loop3A_532 = tpu.vector_load %arg7[%parallel_loop3A_528, %parallel_loop3A_529, %parallel_loop3A_530, %parallel_loop3A_531] {strides = array<i32>} : memref<2x16x2x512xf32, #tpu.memory_space<vmem>>, vector<16xf32>,
        tpu.vector_store %arg7[%parallel_loop3A_528, %parallel_loop3A_529, %parallel_loop3A_530, %parallel_loop3A_531], %parallel_loop3A_523 {strides = array<i32>} : memref<2x16x2x512xf32, #tpu.memory_space<vmem>>, vector<16xf32>,
        %parallel_loop3A_533 = arith.constant 40500 : i32
        %parallel_loop3A_534 = vector.broadcast %parallel_loop3A_533 : i32 to vector<16xi32>
        %parallel_loop3A_535 = arith.addi %parallel_loop3A_376, %parallel_loop3A_534 : vector<16xi32>
        %parallel_loop3A_536 = tpu.vector_load_idx %arg5[%parallel_loop3A_535] : memref<54000xf32, #tpu.memory_space<vmem>>[vector<16xi32>], vector<16xf32>,
        %parallel_loop3A_537 = arith.constant 16 : i32
        %parallel_loop3A_538 = arith.muli %parallel_loop3A_154, %parallel_loop3A_537 : i32
        %parallel_loop3A_539 = arith.constant 12 : i32
        %parallel_loop3A_540 = arith.constant 1 : i32
        %parallel_loop3A_541 = arith.index_cast %rem3A_99 : i32 to index
        %parallel_loop3A_542 = arith.index_cast %parallel_loop3A_539 : i32 to index
        %parallel_loop3A_543 = arith.index_cast %parallel_loop3A_540 : i32 to index
        %parallel_loop3A_544 = arith.index_cast %parallel_loop3A_538 : i32 to index
        %parallel_loop3A_545 = tpu.vector_load %arg7[%parallel_loop3A_541, %parallel_loop3A_542, %parallel_loop3A_543, %parallel_loop3A_544] {strides = array<i32>} : memref<2x16x2x512xf32, #tpu.memory_space<vmem>>, vector<16xf32>,
        tpu.vector_store %arg7[%parallel_loop3A_541, %parallel_loop3A_542, %parallel_loop3A_543, %parallel_loop3A_544], %parallel_loop3A_536 {strides = array<i32>} : memref<2x16x2x512xf32, #tpu.memory_space<vmem>>, vector<16xf32>,
        %parallel_loop3A_546 = arith.constant 43875 : i32
        %parallel_loop3A_547 = vector.broadcast %parallel_loop3A_546 : i32 to vector<16xi32>
        %parallel_loop3A_548 = arith.addi %parallel_loop3A_376, %parallel_loop3A_547 : vector<16xi32>
        %parallel_loop3A_549 = tpu.vector_load_idx %arg5[%parallel_loop3A_548] : memref<54000xf32, #tpu.memory_space<vmem>>[vector<16xi32>], vector<16xf32>,
        %parallel_loop3A_550 = arith.constant 16 : i32
        %parallel_loop3A_551 = arith.muli %parallel_loop3A_154, %parallel_loop3A_550 : i32
        %parallel_loop3A_552 = arith.constant 13 : i32
        %parallel_loop3A_553 = arith.constant 1 : i32
        %parallel_loop3A_554 = arith.index_cast %rem3A_99 : i32 to index
        %parallel_loop3A_555 = arith.index_cast %parallel_loop3A_552 : i32 to index
        %parallel_loop3A_556 = arith.index_cast %parallel_loop3A_553 : i32 to index
        %parallel_loop3A_557 = arith.index_cast %parallel_loop3A_551 : i32 to index
        %parallel_loop3A_558 = tpu.vector_load %arg7[%parallel_loop3A_554, %parallel_loop3A_555, %parallel_loop3A_556, %parallel_loop3A_557] {strides = array<i32>} : memref<2x16x2x512xf32, #tpu.memory_space<vmem>>, vector<16xf32>,
        tpu.vector_store %arg7[%parallel_loop3A_554, %parallel_loop3A_555, %parallel_loop3A_556, %parallel_loop3A_557], %parallel_loop3A_549 {strides = array<i32>} : memref<2x16x2x512xf32, #tpu.memory_space<vmem>>, vector<16xf32>,
        %parallel_loop3A_559 = arith.constant 47250 : i32
        %parallel_loop3A_560 = vector.broadcast %parallel_loop3A_559 : i32 to vector<16xi32>
        %parallel_loop3A_561 = arith.addi %parallel_loop3A_376, %parallel_loop3A_560 : vector<16xi32>
        %parallel_loop3A_562 = tpu.vector_load_idx %arg5[%parallel_loop3A_561] : memref<54000xf32, #tpu.memory_space<vmem>>[vector<16xi32>], vector<16xf32>,
        %parallel_loop3A_563 = arith.constant 16 : i32
        %parallel_loop3A_564 = arith.muli %parallel_loop3A_154, %parallel_loop3A_563 : i32
        %parallel_loop3A_565 = arith.constant 14 : i32
        %parallel_loop3A_566 = arith.constant 1 : i32
        %parallel_loop3A_567 = arith.index_cast %rem3A_99 : i32 to index
        %parallel_loop3A_568 = arith.index_cast %parallel_loop3A_565 : i32 to index
        %parallel_loop3A_569 = arith.index_cast %parallel_loop3A_566 : i32 to index
        %parallel_loop3A_570 = arith.index_cast %parallel_loop3A_564 : i32 to index
        %parallel_loop3A_571 = tpu.vector_load %arg7[%parallel_loop3A_567, %parallel_loop3A_568, %parallel_loop3A_569, %parallel_loop3A_570] {strides = array<i32>} : memref<2x16x2x512xf32, #tpu.memory_space<vmem>>, vector<16xf32>,
        tpu.vector_store %arg7[%parallel_loop3A_567, %parallel_loop3A_568, %parallel_loop3A_569, %parallel_loop3A_570], %parallel_loop3A_562 {strides = array<i32>} : memref<2x16x2x512xf32, #tpu.memory_space<vmem>>, vector<16xf32>,
        %parallel_loop3A_572 = arith.constant 50625 : i32
        %parallel_loop3A_573 = vector.broadcast %parallel_loop3A_572 : i32 to vector<16xi32>
        %parallel_loop3A_574 = arith.addi %parallel_loop3A_376, %parallel_loop3A_573 : vector<16xi32>
        %parallel_loop3A_575 = tpu.vector_load_idx %arg5[%parallel_loop3A_574] : memref<54000xf32, #tpu.memory_space<vmem>>[vector<16xi32>], vector<16xf32>,
        %parallel_loop3A_576 = arith.constant 16 : i32
        %parallel_loop3A_577 = arith.muli %parallel_loop3A_154, %parallel_loop3A_576 : i32
        %parallel_loop3A_578 = arith.constant 15 : i32
        %parallel_loop3A_579 = arith.constant 1 : i32
        %parallel_loop3A_580 = arith.index_cast %rem3A_99 : i32 to index
        %parallel_loop3A_581 = arith.index_cast %parallel_loop3A_578 : i32 to index
        %parallel_loop3A_582 = arith.index_cast %parallel_loop3A_579 : i32 to index
        %parallel_loop3A_583 = arith.index_cast %parallel_loop3A_577 : i32 to index
        %parallel_loop3A_584 = tpu.vector_load %arg7[%parallel_loop3A_580, %parallel_loop3A_581, %parallel_loop3A_582, %parallel_loop3A_583] {strides = array<i32>} : memref<2x16x2x512xf32, #tpu.memory_space<vmem>>, vector<16xf32>,
        tpu.vector_store %arg7[%parallel_loop3A_580, %parallel_loop3A_581, %parallel_loop3A_582, %parallel_loop3A_583], %parallel_loop3A_575 {strides = array<i32>} : memref<2x16x2x512xf32, #tpu.memory_space<vmem>>, vector<16xf32>,
      } {sc.loop_unroll_factor = 1 : i64, sc.parallel_access}
      %rem3A_122 = arith.constant 2 : i32
      %rem3A_123 = arith.remsi %scan3A_97, %rem3A_122 : i32
      %mul3A_124 = arith.constant 2 : i32
      %mul3A_125 = arith.muli %scan3A_97, %mul3A_124 : i32
      %add3A_126 = arith.addi %mul3A_4, %mul3A_125 : i32
      %dma_start3A_127 = arith.constant 0 : i32
      %dma_start3A_128 = arith.constant 0 : i32
      %dma_start3A_129 = arith.constant 0 : i32
      %dma_start3A_130 = arith.constant 0 : i32
      %dma_start3A_131 = tpu.memref_slice %arg7[%rem3A_123, %dma_start3A_128, %dma_start3A_129, %dma_start3A_130] : memref<2x16x2x512xf32, #tpu.memory_space<vmem>> -> memref<1x16x2x512xf32, #tpu.memory_space<vmem>>
      %dma_start3A_132 = tpu.memref_squeeze %dma_start3A_131 : memref<1x16x2x512xf32, #tpu.memory_space<vmem>> -> memref<16x2x512xf32, #tpu.memory_space<vmem>>
      %dma_start3A_133 = arith.constant 0 : i32
      %dma_start3A_134 = arith.constant 0 : i32
      %dma_start3A_135 = tpu.memref_slice %arg4[%dma_start3A_127, %dma_start3A_133, %add3A_126, %dma_start3A_134] : memref<1x16x512x512xf32, #tpu.memory_space<hbm>> -> memref<1x16x2x512xf32, #tpu.memory_space<hbm>>
      %dma_start3A_136 = tpu.memref_squeeze %dma_start3A_135 : memref<1x16x2x512xf32, #tpu.memory_space<hbm>> -> memref<16x2x512xf32, #tpu.memory_space<hbm>>
      %dma_start3A_137 = tpu.memref_slice %arg9[%rem3A_123] : memref<2x!tpu.dma_semaphore, #tpu.memory_space<semaphore_mem>> -> memref<1x!tpu.dma_semaphore, #tpu.memory_space<semaphore_mem>>
      %dma_start3A_138 = tpu.memref_squeeze %dma_start3A_137 : memref<1x!tpu.dma_semaphore, #tpu.memory_space<semaphore_mem>> -> memref<!tpu.dma_semaphore, #tpu.memory_space<semaphore_mem>>
      %dma_start3A_139 = arith.constant 0 : i32
      %dma_start3A_140 = arith.constant 0 : i32
      %dma_start3A_141 = tpu.memref_slice %arg4[%dma_start3A_127, %dma_start3A_139, %add3A_126, %dma_start3A_140] : memref<1x16x512x512xf32, #tpu.memory_space<hbm>> -> memref<1x16x2x512xf32, #tpu.memory_space<hbm>>
      %dma_start3A_142 = tpu.memref_squeeze %dma_start3A_141 : memref<1x16x2x512xf32, #tpu.memory_space<hbm>> -> memref<16x2x512xf32, #tpu.memory_space<hbm>>
      %dma_start3A_143 = arith.constant 0 : i32
      %dma_start3A_144 = arith.constant 0 : i32
      %dma_start3A_145 = arith.constant 0 : i32
      %dma_start3A_146 = tpu.memref_slice %arg7[%rem3A_123, %dma_start3A_143, %dma_start3A_144, %dma_start3A_145] : memref<2x16x2x512xf32, #tpu.memory_space<vmem>> -> memref<1x16x2x512xf32, #tpu.memory_space<vmem>>
      %dma_start3A_147 = tpu.memref_squeeze %dma_start3A_146 : memref<1x16x2x512xf32, #tpu.memory_space<vmem>> -> memref<16x2x512xf32, #tpu.memory_space<vmem>>
      tpu.enqueue_dma source(%dma_start3A_147 : memref<16x2x512xf32, #tpu.memory_space<vmem>>) target(%dma_start3A_142 : memref<16x2x512xf32, #tpu.memory_space<hbm>>) target_semaphore(%dma_start3A_138 : memref<!tpu.dma_semaphore, #tpu.memory_space<semaphore_mem>>)
      %add3A_148 = arith.constant 2 : i32
      %add3A_149 = arith.addi %scan3A_97, %add3A_148 : i32
      %lt3A = arith.constant 8 : i32
      %lt3A_150 = arith.cmpi slt, %add3A_149, %lt3A : i32
      %convert_element_type3A_151 = arith.extui %lt3A_150 : i1 to i32
      %cond3A_152 = arith.constant 0 : i32
      %cond3A_153 = arith.cmpi ne, %convert_element_type3A_151, %cond3A_152 : i32
      scf.if %cond3A_153 {
        %add3A_154 = arith.constant 2 : i32
        %add3A_155 = arith.addi %scan3A_97, %add3A_154 : i32
        %rem3A_156 = arith.constant 2 : i32
        %rem3A_157 = arith.remsi %add3A_155, %rem3A_156 : i32
        %mul3A_158 = arith.constant 2 : i32
        %mul3A_159 = arith.muli %add3A_155, %mul3A_158 : i32
        %add3A_160 = arith.addi %mul3A_4, %mul3A_159 : i32
        %dma_start3A_161 = arith.constant 0 : i32
        %dma_start3A_162 = arith.constant 0 : i32
        %dma_start3A_163 = tpu.memref_slice %arg6[%rem3A_157, %dma_start3A_161, %dma_start3A_162] : memref<2x2x512xi32, #tpu.memory_space<vmem>> -> memref<1x2x512xi32, #tpu.memory_space<vmem>>
        %dma_start3A_164 = tpu.memref_squeeze %dma_start3A_163 : memref<1x2x512xi32, #tpu.memory_space<vmem>> -> memref<2x512xi32, #tpu.memory_space<vmem>>
        %dma_start3A_165 = arith.constant 0 : i32
        %dma_start3A_166 = tpu.memref_slice %arg3[%add3A_160, %dma_start3A_165] : memref<512x512xi32, #tpu.memory_space<hbm>> -> memref<2x512xi32, #tpu.memory_space<hbm>>
        %dma_start3A_167 = tpu.memref_slice %arg8[%rem3A_157] : memref<2x!tpu.dma_semaphore, #tpu.memory_space<semaphore_mem>> -> memref<1x!tpu.dma_semaphore, #tpu.memory_space<semaphore_mem>>
        %dma_start3A_168 = tpu.memref_squeeze %dma_start3A_167 : memref<1x!tpu.dma_semaphore, #tpu.memory_space<semaphore_mem>> -> memref<!tpu.dma_semaphore, #tpu.memory_space<semaphore_mem>>
        %dma_start3A_169 = arith.constant 0 : i32
        %dma_start3A_170 = arith.constant 0 : i32
        %dma_start3A_171 = tpu.memref_slice %arg6[%rem3A_157, %dma_start3A_169, %dma_start3A_170] : memref<2x2x512xi32, #tpu.memory_space<vmem>> -> memref<1x2x512xi32, #tpu.memory_space<vmem>>
        %dma_start3A_172 = tpu.memref_squeeze %dma_start3A_171 : memref<1x2x512xi32, #tpu.memory_space<vmem>> -> memref<2x512xi32, #tpu.memory_space<vmem>>
        %dma_start3A_173 = arith.constant 0 : i32
        %dma_start3A_174 = tpu.memref_slice %arg3[%add3A_160, %dma_start3A_173] : memref<512x512xi32, #tpu.memory_space<hbm>> -> memref<2x512xi32, #tpu.memory_space<hbm>>
        tpu.enqueue_dma source(%dma_start3A_174 : memref<2x512xi32, #tpu.memory_space<hbm>>) target(%dma_start3A_172 : memref<2x512xi32, #tpu.memory_space<vmem>>) target_semaphore(%dma_start3A_168 : memref<!tpu.dma_semaphore, #tpu.memory_space<semaphore_mem>>)
      } else {
      }
    }
    %scan3A_45 = arith.constant 8 : i32
    %rem3A_46 = arith.constant 6 : i32
    %rem3A_47 = arith.constant 2 : i32
    %rem3A_48 = arith.remsi %rem3A_46, %rem3A_47 : i32
    %add3A_49 = arith.constant 12 : i32
    %add3A_50 = arith.addi %mul3A_4, %add3A_49 : i32
    %dma_wait3A = arith.constant 0 : i32
    %dma_wait3A_51 = arith.constant 0 : i32
    %dma_wait3A_52 = arith.constant 0 : i32
    %dma_wait3A_53 = arith.constant 0 : i32
    %dma_wait3A_54 = tpu.memref_slice %arg7[%rem3A_48, %dma_wait3A_51, %dma_wait3A_52, %dma_wait3A_53] : memref<2x16x2x512xf32, #tpu.memory_space<vmem>> -> memref<1x16x2x512xf32, #tpu.memory_space<vmem>>
    %dma_wait3A_55 = tpu.memref_squeeze %dma_wait3A_54 : memref<1x16x2x512xf32, #tpu.memory_space<vmem>> -> memref<16x2x512xf32, #tpu.memory_space<vmem>>
    %dma_wait3A_56 = arith.constant 0 : i32
    %dma_wait3A_57 = arith.constant 0 : i32
    %dma_wait3A_58 = tpu.memref_slice %arg4[%dma_wait3A, %dma_wait3A_56, %add3A_50, %dma_wait3A_57] : memref<1x16x512x512xf32, #tpu.memory_space<hbm>> -> memref<1x16x2x512xf32, #tpu.memory_space<hbm>>
    %dma_wait3A_59 = tpu.memref_squeeze %dma_wait3A_58 : memref<1x16x2x512xf32, #tpu.memory_space<hbm>> -> memref<16x2x512xf32, #tpu.memory_space<hbm>>
    %dma_wait3A_60 = tpu.memref_slice %arg9[%rem3A_48] : memref<2x!tpu.dma_semaphore, #tpu.memory_space<semaphore_mem>> -> memref<1x!tpu.dma_semaphore, #tpu.memory_space<semaphore_mem>>
    %dma_wait3A_61 = tpu.memref_squeeze %dma_wait3A_60 : memref<1x!tpu.dma_semaphore, #tpu.memory_space<semaphore_mem>> -> memref<!tpu.dma_semaphore, #tpu.memory_space<semaphore_mem>>
    %dma_wait3A_62 = arith.constant 0 : i32
    %dma_wait3A_63 = arith.constant 0 : i32
    %dma_wait3A_64 = tpu.memref_slice %arg4[%dma_wait3A, %dma_wait3A_62, %add3A_50, %dma_wait3A_63] : memref<1x16x512x512xf32, #tpu.memory_space<hbm>> -> memref<1x16x2x512xf32, #tpu.memory_space<hbm>>
    %dma_wait3A_65 = tpu.memref_squeeze %dma_wait3A_64 : memref<1x16x2x512xf32, #tpu.memory_space<hbm>> -> memref<16x2x512xf32, #tpu.memory_space<hbm>>
    %dma_wait3A_66 = arith.constant 0 : i32
    %dma_wait3A_67 = arith.constant 0 : i32
    %dma_wait3A_68 = arith.constant 0 : i32
    %dma_wait3A_69 = tpu.memref_slice %arg7[%rem3A_48, %dma_wait3A_66, %dma_wait3A_67, %dma_wait3A_68] : memref<2x16x2x512xf32, #tpu.memory_space<vmem>> -> memref<1x16x2x512xf32, #tpu.memory_space<vmem>>
    %dma_wait3A_70 = tpu.memref_squeeze %dma_wait3A_69 : memref<1x16x2x512xf32, #tpu.memory_space<vmem>> -> memref<16x2x512xf32, #tpu.memory_space<vmem>>
    tpu.wait_dma2 semaphore(%dma_wait3A_61 : memref<!tpu.dma_semaphore, #tpu.memory_space<semaphore_mem>>) src(%dma_wait3A_70 : memref<16x2x512xf32, #tpu.memory_space<vmem>>) dst(%dma_wait3A_65 : memref<16x2x512xf32, #tpu.memory_space<hbm>>)
    %rem3A_71 = arith.constant 7 : i32
    %rem3A_72 = arith.constant 2 : i32
    %rem3A_73 = arith.remsi %rem3A_71, %rem3A_72 : i32
    %add3A_74 = arith.constant 14 : i32
    %add3A_75 = arith.addi %mul3A_4, %add3A_74 : i32
    %dma_wait3A_76 = arith.constant 0 : i32
    %dma_wait3A_77 = arith.constant 0 : i32
    %dma_wait3A_78 = arith.constant 0 : i32
    %dma_wait3A_79 = arith.constant 0 : i32
    %dma_wait3A_80 = tpu.memref_slice %arg7[%rem3A_73, %dma_wait3A_77, %dma_wait3A_78, %dma_wait3A_79] : memref<2x16x2x512xf32, #tpu.memory_space<vmem>> -> memref<1x16x2x512xf32, #tpu.memory_space<vmem>>
    %dma_wait3A_81 = tpu.memref_squeeze %dma_wait3A_80 : memref<1x16x2x512xf32, #tpu.memory_space<vmem>> -> memref<16x2x512xf32, #tpu.memory_space<vmem>>
    %dma_wait3A_82 = arith.constant 0 : i32
    %dma_wait3A_83 = arith.constant 0 : i32
    %dma_wait3A_84 = tpu.memref_slice %arg4[%dma_wait3A_76, %dma_wait3A_82, %add3A_75, %dma_wait3A_83] : memref<1x16x512x512xf32, #tpu.memory_space<hbm>> -> memref<1x16x2x512xf32, #tpu.memory_space<hbm>>
    %dma_wait3A_85 = tpu.memref_squeeze %dma_wait3A_84 : memref<1x16x2x512xf32, #tpu.memory_space<hbm>> -> memref<16x2x512xf32, #tpu.memory_space<hbm>>
    %dma_wait3A_86 = tpu.memref_slice %arg9[%rem3A_73] : memref<2x!tpu.dma_semaphore, #tpu.memory_space<semaphore_mem>> -> memref<1x!tpu.dma_semaphore, #tpu.memory_space<semaphore_mem>>
    %dma_wait3A_87 = tpu.memref_squeeze %dma_wait3A_86 : memref<1x!tpu.dma_semaphore, #tpu.memory_space<semaphore_mem>> -> memref<!tpu.dma_semaphore, #tpu.memory_space<semaphore_mem>>
    %dma_wait3A_88 = arith.constant 0 : i32
    %dma_wait3A_89 = arith.constant 0 : i32
    %dma_wait3A_90 = tpu.memref_slice %arg4[%dma_wait3A_76, %dma_wait3A_88, %add3A_75, %dma_wait3A_89] : memref<1x16x512x512xf32, #tpu.memory_space<hbm>> -> memref<1x16x2x512xf32, #tpu.memory_space<hbm>>
    %dma_wait3A_91 = tpu.memref_squeeze %dma_wait3A_90 : memref<1x16x2x512xf32, #tpu.memory_space<hbm>> -> memref<16x2x512xf32, #tpu.memory_space<hbm>>
    %dma_wait3A_92 = arith.constant 0 : i32
    %dma_wait3A_93 = arith.constant 0 : i32
    %dma_wait3A_94 = arith.constant 0 : i32
    %dma_wait3A_95 = tpu.memref_slice %arg7[%rem3A_73, %dma_wait3A_92, %dma_wait3A_93, %dma_wait3A_94] : memref<2x16x2x512xf32, #tpu.memory_space<vmem>> -> memref<1x16x2x512xf32, #tpu.memory_space<vmem>>
    %dma_wait3A_96 = tpu.memref_squeeze %dma_wait3A_95 : memref<1x16x2x512xf32, #tpu.memory_space<vmem>> -> memref<16x2x512xf32, #tpu.memory_space<vmem>>
    tpu.wait_dma2 semaphore(%dma_wait3A_87 : memref<!tpu.dma_semaphore, #tpu.memory_space<semaphore_mem>>) src(%dma_wait3A_96 : memref<16x2x512xf32, #tpu.memory_space<vmem>>) dst(%dma_wait3A_91 : memref<16x2x512xf32, #tpu.memory_space<hbm>>)
    return
  }
}

</mosaic_0001>

<sc_bundles>
// kernel: kernel.3.cloned.1.call-start
scs
__scs_entry_jumppad:
0x0: {  	(pc) =	sbr.rel $0x88, $3  }
0x1: {  	(tag) =	ssettag $0x0;
	lr =	simm.s32 $0x1  }
0x2: {  	[smem:$0x3F9F] =	sst lr;
	_ =	strace $0xD0000000  }
0x3: {  	_ = 	snop  }
0x4: {  	_ = 	snop  }
0x5: {  	_ = 	snop  }
0x6: {  	_ = 	snop  }
0x7: {  	_ = 	snop  }
__scs_overlays_trampoline_lowered:
0x8: {  	[smem:$0x3FAE] =	sst s0  }
0x9: {  	[smem:$0x3FAF] =	sst s1  }
0xa: {  	[smem:$0x3FB0] =	sst s2  }
0xb: {  	[smem:$0x3FB1] =	sst s3  }
0xc: {  	[smem:$0x3FB2] =	sst s4  }
0xd: {  	[smem:$0x3FB3] =	sst s5  }
0xe: {  	[smem:$0x3FB4] =	sst s6  }
0xf: {  	[smem:$0x3FB5] =	sst s7  }
0x10: {  	[smem:$0x3FB6] =	sst s8  }
0x11: {  	[smem:$0x3FB7] =	sst s9;
	s0 =	simm.s32 @!p0 $0x0  }
0x12: {  	s1 =	sld [smem:$0x3F9D];
	s0 =	simm.s32 @p0 $0x1  }
0x13: {  	[smem:$0x3FB8] =	sst s0;
	s0 =	simm.s32 @!p1 $0x0  }
0x14: {  	s2 =	sld [smem:$0x3F9C];
	s0 =	simm.s32 @p1 $0x1  }
0x15: {  	[smem:$0x3FB9] =	sst s0;
	s0 =	simm.s32 @!p2 $0x0  }
0x16: {  	s3 =	sld [smem:$0x3FDB];
	s0 =	simm.s32 @p2 $0x1  }
0x17: {  	s4 =	simm.s32 $0x1BF5;
	[smem:$0x3FBB] =	sst s0  }
0x18: {  	s0 =	sld [smem:$0x3F9E];
	_ =	swait.ge [sflag:s4], $0x0  }
0x19: {  	s7 =	sld [smem:$0x3F9F]  }
0x1a: {  	s8 =	sadd.s32 $0xFFFFE003, lr  }
0x1b: {  	s9 =	sadd.s32 $0xFFFFFEF7, lr;
	s5 =	simm.s32 $0xFFFFFFFF;
	p2 =	slt.u32 s8, $0xFFFFF086  }
0x1c: {  	p1 =	slt.u32 s9, $0xF7A;
	s5 =	simm.s32 @!p2 $0x0  }
0x1d: {  	s5 =	simm.s32 @p1 $0x1;
	p0 =	seq.s32 s7, s2  }
0x1e: {  	s7 =	smul.u32 @!p0 $0xF7A, s2;
	p2 =	seq.s32 @!p0 s5, $0x0  }
0x1f: {  	s9 =	smul.u32 $0xF7A, s1;
	s8 =	simm.s32 @!p0 $0x1BF5;
	p2 =	por !p2, p0  }
0x20: {  	[sflag:s8] =	ssyncset.s32 @!p0 $0xFFFFF086;
	s6 =	sadd.s32 @!p0 s3, s7;
	s7 =	simm.s32 @!p0 $0x108  }
0x21: {  	s3 =	sadd.s32 s3, s9;
	s6 =	sadd.s32 @!p0 $0x88, s6;
	s7 =	simm.s32 @p2 $0x1082  }
0x22: {  	[simem:s7], [sflag:s8] =	dma.local @!p0 [hbm:s6], $0xF7A  }
0x23: {  	s9 =	sor.u32 $0xD0000000, s2;
	s6 =	simm.s32 $0x108;
	_ =	swait.ge @!p0 [sflag:s8], $0x0  }
0x24: {  	s3 =	sadd.s32 $0x88, s3;
	s6 =	simm.s32 @!p1 $0x1082;
	[sflag:s4] =	ssyncset.s32 $0xFFFFF086  }
0x25: {  	[simem:s6], [sflag:s4] =	dma.local [hbm:s3], $0xF7A  }
0x26: {  	[smem:$0x3F9F] =	sst s1;
	(tag) =	ssettag s2;
	_ =	strace s9  }
0x27: {  	s1 =	sld [smem:$0x3FAF]  }
0x28: {  	s2 =	sld [smem:$0x3FB0]  }
0x29: {  	s4 =	sld [smem:$0x3FB2]  }
0x2a: {  	p0 =	seq.s32 s5, $0x0;
	s5 =	sld [smem:$0x3FB3]  }
0x2b: {  	s6 =	sld [smem:$0x3FB4]  }
0x2c: {  	s7 =	sld [smem:$0x3FB5]  }
0x2d: {  	s3 =	simm.s32 $0x108;
	s8 =	sld [smem:$0x3FB6]  }
0x2e: {  	s3 =	simm.s32 @!p0 $0x1082;
	s9 =	sld [smem:$0x3FB7]  }
0x2f: {  	lr =	sadd.s32 s0, s3;
	s0 =	sld [smem:$0x3FAE]  }
0x30: {  	s3 =	sld [smem:$0x3FB1]  }
0x31: {  	[smem:$0x3FBA] =	sst s10  }
0x32: {  	s10 =	sld [smem:$0x3FB8];
	_ =	sdelay $0x3  }
0x33: {  	p0 =	seq.s32 s10, $0x1;
	s10 =	sld [smem:$0x3FBA];
	_ =	sdelay $0x3  }
0x34: {  	[smem:$0x3FBA] =	sst s10  }
0x35: {  	s10 =	sld [smem:$0x3FB9];
	_ =	sdelay $0x3  }
0x36: {  	p1 =	seq.s32 s10, $0x1;
	s10 =	sld [smem:$0x3FBA];
	_ =	sdelay $0x3  }
0x37: {  	[smem:$0x3FBA] =	sst s10  }
0x38: {  	s10 =	sld [smem:$0x3FBB]  }
0x39: {  	_ = 	snop;
	(pc) =	sbr.ind lr, $3  }
0x3a: {  	_ = 	snop  }
0x3b: {  	_ = 	snop  }
0x3c: {  	p2 =	seq.s32 s10, $0x1;
	s10 =	sld [smem:$0x3FBA]  }
0x3d: {  	_ =	shalt  }
0x3e: {  	_ =	shalt  }
0x3f: {  	_ =	shalt  }
0x40: {  	_ =	shalt  }
0x41: {  	_ =	shalt  }
0x42: {  	_ =	shalt  }
0x43: {  	_ =	shalt  }
0x44: {  	_ =	shalt  }
0x45: {  	_ =	shalt  }
0x46: {  	_ =	shalt  }
0x47: {  	_ =	shalt  }
0x48: {  	_ =	shalt  }
0x49: {  	_ =	shalt  }
0x4a: {  	_ =	shalt  }
0x4b: {  	_ =	shalt  }
0x4c: {  	_ =	shalt  }
0x4d: {  	_ =	shalt  }
0x4e: {  	_ =	shalt  }
0x4f: {  	_ =	shalt  }
0x50: {  	_ =	shalt  }
0x51: {  	_ =	shalt  }
0x52: {  	_ =	shalt  }
0x53: {  	_ =	shalt  }
0x54: {  	_ =	shalt  }
0x55: {  	_ =	shalt  }
0x56: {  	_ =	shalt  }
0x57: {  	_ =	shalt  }
0x58: {  	_ =	shalt  }
0x59: {  	_ =	shalt  }
0x5a: {  	_ =	shalt  }
0x5b: {  	_ =	shalt  }
0x5c: {  	_ =	shalt  }
0x5d: {  	_ =	shalt  }
0x5e: {  	_ =	shalt  }
0x5f: {  	_ =	shalt  }
0x60: {  	_ =	shalt  }
0x61: {  	_ =	shalt  }
0x62: {  	_ =	shalt  }
0x63: {  	_ =	shalt  }
0x64: {  	_ =	shalt  }
0x65: {  	_ =	shalt  }
0x66: {  	_ =	shalt  }
0x67: {  	_ =	shalt  }
0x68: {  	_ =	shalt  }
0x69: {  	_ =	shalt  }
0x6a: {  	_ =	shalt  }
0x6b: {  	_ =	shalt  }
0x6c: {  	_ =	shalt  }
0x6d: {  	_ =	shalt  }
0x6e: {  	_ =	shalt  }
0x6f: {  	_ =	shalt  }
0x70: {  	_ =	shalt  }
0x71: {  	_ =	shalt  }
0x72: {  	_ =	shalt  }
0x73: {  	_ =	shalt  }
0x74: {  	_ =	shalt  }
0x75: {  	_ =	shalt  }
0x76: {  	_ =	shalt  }
0x77: {  	_ =	shalt  }
0x78: {  	_ =	shalt  }
0x79: {  	_ =	shalt  }
0x7a: {  	_ =	shalt  }
0x7b: {  	_ =	shalt  }
0x7c: {  	_ =	shalt  }
0x7d: {  	_ =	shalt  }
0x7e: {  	_ =	shalt  }
0x7f: {  	_ =	shalt  }
0x80: {  	_ =	shalt  }
0x81: {  	_ =	shalt  }
0x82: {  	_ =	shalt  }
0x83: {  	_ =	shalt  }
0x84: {  	_ =	shalt  }
0x85: {  	_ =	shalt  }
0x86: {  	_ =	shalt  }
0x87: {  	_ =	shalt  }
.Lfunc_end0:
.L_simem_size_0:
called_computation_lowered:
.L_overlay_start_0:
0x88: {  	s2 =	sld [smem:$0x3FD9]  }
0x89: {  	s3 =	sld [smem:$0x3FFE];
	_ =	sdelay $0x1  }
0x8a: {  	s1 =	srdreg.scid  }
0x8b: {  	s0 =	sand.u32 $0x1, s1  }
0x8c: {  	s17 =	sshll.u32 s0, $0xA;
	s2 =	sadd.s32 s3, s2  }
0x8d: {  	s2 =	sadd.s32 s2, s17  }
0x8e: {  	[smem:$0x3FC6] =	sst s2  }
0x8f: {  	_ = 	snop  }
0x90: {  	s2 =	sld [smem:$0x3FC8]  }
0x91: {  	s18 =	sld [smem:$0x3FD0];
	(tm) =	ssettm $0x1  }
0x92: {  	s4 =	sld [smem:$0x3FFB];
	_ =	sdelay $0x3  }
0x93: {  	_ =	strace s4  }
0x94: {  	s4 =	sld [smem:$0x3FFC];
	_ =	sdelay $0x3  }
0x95: {  	_ =	strace s4  }
0x96: {  	s4 =	sld [smem:$0x3FFD];
	_ =	sdelay $0x3  }
0x97: {  	_ =	strace s4  }
0x98: {  	_ =	strace $0x8FFFFFFF  }
0x99: {  	s19 =	sld [smem:$0x3FDB];
	_ =	sdelay $0x1  }
0x9a: {  	s5 =	simm.s32 $_scs_section_size  }
0x9b: {  	s6 =	simm.s32 $_size__tile_overlayer_lowered;
	s7 =	simm.s32 $_tile_overlayer_lowered  }
0x9c: {  	s22 =	simm.s32 $0x1BFF;
	s21 =	sshll.u32 s7, $0x1;
	s4 =	sadd.s32 s5, s19  }
0x9d: {  	s8 =	simm.s32 $0x0;
	s20 =	sshll.u32 s6, $0x1;
	s6 =	sadd.s32 s21, s4  }
0x9e: {  	[timem:s8], [sflag:s22] =	dma.local [hbm:s6], s20  }
0x9f: {  	_ =	swait.ge [sflag:s22], s20  }
0xa0: {  	s5 =	ssub.s32 $0x0, s20;
	[sflag:s22] =	ssyncset.done $0x0  }
0xa1: {  	[sflag:s22] =	ssyncadd.s32 s5;
	_ =	sdelay $0x1  }
0xa2: {  	s23 =	simm.s32 $0x1B8B  }
0xa3: {  	_ =	swait.ge [sflag:s23], $0x1  }
0xa4: {  	[sflag:s23] =	ssyncset.done $0x0  }
0xa5: {  	s25 =	simm.s32 $0x1B8E;
	s24 =	sld [smem:$0x3FFE];
	[sflag:s23] =	ssyncadd.s32 $0xFFFFFFFF  }
0xa6: {  	s26 =	simm.s32 $execute0_lowered;
	[smem:$0x3FD2] =	sst s25  }
0xa7: {  	s6 =	sshll.u32 s26, $0x1;
	_ =	strace $0x80000046;
	[dreg:$0x1] =	wrdreg $0xFFFFFFFF  }
0xa8: {  	s28 =	simm.s32 $_size_execute0_lowered;
	s4 =	sadd.s32 s4, s6;
	[dreg:$0x0] =	wrdreg $0x0  }
0xa9: {  	s6 =	sshll.u32 s28, $0x1;
	[dreg:$0x2] =	wrdreg s4  }
0xaa: {  	[dreg:$0x3] =	wrdreg s6  }
0xab: {  	[dreg:$0x4] =	wrdreg $0xC0  }
0xac: {  	_ =	task [dreg:s8], $0x5FFFF  }
0xad: {  	[dreg:$0x1] =	wrdreg $0xFFFFFFFF  }
0xae: {  	[dreg:$0x0] =	wrdreg $0x60  }
0xaf: {  	[dreg:$0x2] =	wrdreg s24  }
0xb0: {  	[dreg:$0x3] =	wrdreg s2  }
0xb1: {  	[dreg:$0x4] =	wrdreg s18  }
0xb2: {  	[dreg:$0x5] =	wrdreg $0x9  }
0xb3: {  	_ =	task.clear_ibuf [dreg:s8], $0x6FFFF;
	_ =	strace $0x90000046  }
0xb4: {  	s29 =	simm.s32 $0x9;
	_ =	strace $0x80000048  }
0xb5: {  	_ =	swait.ge [sflag:s29], $0x1  }
0xb6: {  	[sflag:s29] =	ssyncadd.s32 $0xFFFFFFFF  }
0xb7: {  	_ =	strace $0x90000048  }
0xb8: {  	_ =	sfence  }
0xb9: {  	s30 =	sld [smem:$0x0];
	_ =	sdelay $0x2  }
0xba: {  	s31 =	sshll.u32 s1, $0xD;
	s1 =	sshrl.u32 s1, $0x2  }
0xbb: {  	s3 =	sand.u32 $0x4000, s31;
	s1 =	sadd.s32 s1, s30  }
0xbc: {  	s0 =	sor.u32 s3, s0;
	s1 =	sshll.u32 s1, $0x11  }
0xbd: {  	s0 =	sor.u32 s1, s0  }
0xbe: {  	s0 =	sadd.s32 $0x8F2B, s0  }
0xbf: {  	[sflag:s0] =	ssyncadd.remote.s32 $0x1  }
0xc0: {  	_ =	sfence.sel $0xFFFF  }
0xc1: {  	[dreg:$0x0] =	wrdreg $0xFFFFFFFF;
	(pc) =	sbr.abs _section_cstart, $3  }
0xc2: {  	[dreg:$0x1] =	wrdreg $0xFFFFFFFF  }
0xc3: {  	_ =	task.clear_ibuf [dreg:s8], $0x2FFFF;
	_ =	strace $0x9FFFFFFF  }
0xc4: {  	(tm) =	ssettm $0x7FFFFFFF  }
0xc5: {  	_ =	shalt  }
tec
execute0_lowered:
.L_overlay_start_1:
0x0: {  	(tag) =	ssettag $0x1  }
0x1: {  	s0 =	rddreg [dreg:$0x0]  }
0x2: {  	s1 =	rddreg [dreg:$0x1]  }
0x3: {  	s2 =	rddreg [dreg:$0x2];
	s4 =	srdreg.scid;
	s3 =	simm.s32 $0x0  }
0x4: {  	s5 =	stileid.u32;
	s10 =	simm.s32 $0x100;
	s11 =	simm.s32 $0x400  }
0x5: {  	s15 =	simm.s32 $0x3;
	s4 =	sand.u32 $0x1, s4;
	[smem:$0x7FF] =	sst s3  }
0x6: {  	s5 =	sshll.u32 s5, $0xB;
	s0 =	sadd.s32 $0x400, s0;
	s6 =	sshll.u32 s4, $0xA  }
0x7: {  	_ =	strace $0x80000047;
	s7 =	ssub.s32 $0x2, s4;
	s4 =	sor.u32 s6, s5  }
0x8: {  	[dreg:$0x4] =	wrdreg s0;
	s31 =	sshrl.u32 s7, $0x1;
	s5 =	sadd.s32 s1, s4  }
0x9: {  	s0 =	ssub.s32 s7, s31;
	[dreg:$0x5] =	wrdreg s5;
	s5 =	sadd.s32 $0x20, s5  }
0xa: {  	s16 =	simm.s32 $0x4;
	s0 =	smax.u32 s0, $0x1;
	[dreg:$0x6] =	wrdreg s5  }
0xb: {  	s17 =	simm.s32 $0x0;
	s8 =	sadd.s32 s2, s4;
	[dreg:$0x7] =	wrdreg s0  }
.LBB2_1:
0xc: {  	s0 =	rddreg [dreg:$0x5];
	s2 =	simm.s32 $0xD300  }
0xd: {  	[tilespmem:s2], [sflag:$0x1] =	stream.strided.gather [hbm4b:s0+s10], $0x400, s11, s10, $0x38;
	[tilespmem:$0x15B00] =	vst v63  }
0xe: {  	s28 =	rddreg [dreg:$0x6];
	s29 =	simm.s32 $0xD700  }
0xf: {  	[tilespmem:s29], [sflag:$0x2] =	stream.strided.gather [hbm4b:s28+s10], $0x400, s11, s10, $0x38;
	[tilespmem:$0x15B00] =	vst v63  }
0x10: {  	s30 =	rddreg [dreg:$0x4];
	s31 =	simm.s32 $0x5  }
0x11: {  	[tilespmem:s3], [sflag:$0x5] =	stream.linear.gather [hbm4b:s30+s3], $0xD300, $0x38;
	[tilespmem:$0x15B00] =	vst v63  }
0x12: {  	_ =	swait.ge [sflag:s31], $0xD300  }
0x13: {  	[sflag:s31] =	ssyncset.done $0x0  }
0x14: {  	s18 =	simm.s32 $0x0;
	[sflag:s31] =	ssyncadd.s32 $0xFFFF2D00  }
.LBB2_2:
0x15: {  	s22 =	sand.u32 $0x1, s18  }
0x16: {  	s19 =	sadd.s32 $0x1, s22  }
0x17: {  	_ =	swait.ge [sflag:s19], $0x400  }
0x18: {  	p0 =	slt.u32 s18, $0x2;
	s5 =	simm.s32 $0x0;
	[sflag:s19] =	ssyncset.done $0x0  }
0x19: {  	s0 =	sadd.s32 @!p0 $0x3, s22;
	s2 =	sshll.u32 s22, $0xA;
	[sflag:s19] =	ssyncadd.s32 $0xFFFFFC00  }
0x1a: {  	s26 =	sand.u32 $0x300, s5;
	s20 =	sor.u32 $0xD300, s2;
	_ =	swait.ge @!p0 [sflag:s0], $0x4000  }
0x1b: {  	s5 =	sand.u32 $0x70, s5;
	s6 =	sadd.s32 s26, s20;
	[sflag:s0] =	ssyncset.done @!p0 $0x0  }
0x1c: {  	[sflag:s0] =	ssyncadd.s32 @!p0 $0xFFFFC000;
	s0 =	sadd.s32 s5, s6  }
0x1d: {  	v3 =	vld [tilespmem:s0+$0x0];
	_ =	sdelay $0x7  }
0x1e: {  	v0 =	vld.idx.msk [tilespmem:v3+s3+$0x0], $0xffff  }
0x1f: {  	s21 =	sshll.u32 s22, $0xE;
	v1 =	vadd.s32 $0xD2F, v3  }
0x20: {  	s23 =	sadd.s32 $0xDB00, s21  }
0x21: {  	s2 =	sadd.s32 s26, s23  }
0x22: {  	s30 =	sadd.s32 s5, s2  }
0x23: {  	[tilespmem:s30+$0x0] =	vst v0  }
0x24: {  	v0 =	vld.idx.msk [tilespmem:v1+s3+$0x0], $0xffff  }
0x25: {  	v1 =	vadd.s32 $0x1A5E, v3;
	_ =	sdelay $0x3  }
0x26: {  	[tilespmem:s30+$0x400] =	vst v0  }
0x27: {  	v0 =	vld.idx.msk [tilespmem:v1+s3+$0x0], $0xffff  }
0x28: {  	v1 =	vadd.s32 $0x278D, v3;
	_ =	sdelay $0x3  }
0x29: {  	s6 =	simm.s32 $0x20;
	[tilespmem:s30+$0x800] =	vst v0  }
0x2a: {  	s7 =	simm.s32 $0x10;
	s9 =	sand.u32 $0x300, s6;
	v0 =	vld.idx.msk [tilespmem:v1+s3+$0x0], $0xffff  }
0x2b: {  	s5 =	sand.u32 $0x70, s7;
	s2 =	sadd.s32 s9, s20;
	v2 =	vadd.s32 $0x34BC, v3  }
0x2c: {  	s2 =	sadd.s32 s5, s2  }
0x2d: {  	v1 =	vld [tilespmem:s2+$0x0];
	_ =	sdelay $0x1  }
0x2e: {  	[tilespmem:s30+$0xC00] =	vst v0  }
0x2f: {  	v0 =	vld.idx.msk [tilespmem:v2+s3+$0x0], $0xffff  }
0x30: {  	v2 =	vadd.s32 $0x41EB, v3;
	_ =	sdelay $0x3  }
0x31: {  	v4 =	vld.idx.msk [tilespmem:v1+s3+$0x0], $0xffff;
	[tilespmem:s30+$0x1000] =	vst v0  }
0x32: {  	v0 =	vadd.s32 $0xD2F, v1;
	v2 =	vld.idx.msk [tilespmem:v2+s3+$0x0], $0xffff  }
0x33: {  	v5 =	vadd.s32 $0x4F1A, v3  }
0x34: {  	s6 =	sadd.s32 s9, s23  }
0x35: {  	s25 =	sadd.s32 s5, s6  }
0x36: {  	[tilespmem:s25+$0x0] =	vst v4  }
0x37: {  	v0 =	vld.idx.msk [tilespmem:v0+s3+$0x0], $0xffff;
	[tilespmem:s30+$0x1400] =	vst v2  }
0x38: {  	v2 =	vadd.s32 $0x1A5E, v1;
	v4 =	vld.idx.msk [tilespmem:v5+s3+$0x0], $0xffff  }
0x39: {  	v5 =	vadd.s32 $0x5C49, v3;
	_ =	sdelay $0x2  }
0x3a: {  	[tilespmem:s25+$0x400] =	vst v0  }
0x3b: {  	v0 =	vld.idx.msk [tilespmem:v2+s3+$0x0], $0xffff;
	[tilespmem:s30+$0x1800] =	vst v4  }
0x3c: {  	v2 =	vadd.s32 $0x278D, v1;
	v4 =	vld.idx.msk [tilespmem:v5+s3+$0x0], $0xffff  }
0x3d: {  	v5 =	vadd.s32 $0x6978, v3;
	_ =	sdelay $0x2  }
0x3e: {  	s12 =	simm.s32 $0x40;
	[tilespmem:s25+$0x800] =	vst v0  }
0x3f: {  	s13 =	simm.s32 $0x20;
	s7 =	sand.u32 $0x300, s12;
	v2 =	vld.idx.msk [tilespmem:v2+s3+$0x0], $0xffff;
	[tilespmem:s30+$0x1C00] =	vst v4  }
0x40: {  	s6 =	sand.u32 $0x70, s13;
	s5 =	sadd.s32 s7, s20;
	v4 =	vld.idx.msk [tilespmem:v5+s3+$0x0], $0xffff;
	v5 =	vadd.s32 $0x34BC, v1  }
0x41: {  	s5 =	sadd.s32 s6, s5;
	v6 =	vadd.s32 $0x76A7, v3  }
0x42: {  	v0 =	vld [tilespmem:s5+$0x0];
	_ =	sdelay $0x1  }
0x43: {  	[tilespmem:s25+$0xC00] =	vst v2  }
0x44: {  	v2 =	vld.idx.msk [tilespmem:v5+s3+$0x0], $0xffff;
	[tilespmem:s30+$0x2000] =	vst v4  }
0x45: {  	v5 =	vadd.s32 $0x41EB, v1;
	v4 =	vld.idx.msk [tilespmem:v6+s3+$0x0], $0xffff  }
0x46: {  	v6 =	vadd.s32 $0x83D6, v3;
	_ =	sdelay $0x2  }
0x47: {  	v7 =	vld.idx.msk [tilespmem:v0+s3+$0x0], $0xffff;
	[tilespmem:s25+$0x1000] =	vst v2  }
0x48: {  	v2 =	vadd.s32 $0xD2F, v0;
	v5 =	vld.idx.msk [tilespmem:v5+s3+$0x0], $0xffff;
	[tilespmem:s30+$0x2400] =	vst v4  }
0x49: {  	v4 =	vld.idx.msk [tilespmem:v6+s3+$0x0], $0xffff;
	v6 =	vadd.s32 $0x4F1A, v1  }
0x4a: {  	s7 =	sadd.s32 s7, s23;
	v8 =	vadd.s32 $0x9105, v3  }
0x4b: {  	s24 =	sadd.s32 s6, s7  }
0x4c: {  	[tilespmem:s24+$0x0] =	vst v7  }
0x4d: {  	v2 =	vld.idx.msk [tilespmem:v2+s3+$0x0], $0xffff;
	[tilespmem:s25+$0x1400] =	vst v5  }
0x4e: {  	v5 =	vadd.s32 $0x1A5E, v0;
	v6 =	vld.idx.msk [tilespmem:v6+s3+$0x0], $0xffff;
	[tilespmem:s30+$0x2800] =	vst v4  }
0x4f: {  	v7 =	vadd.s32 $0x5C49, v1;
	v4 =	vld.idx.msk [tilespmem:v8+s3+$0x0], $0xffff  }
0x50: {  	v8 =	vadd.s32 $0x9E34, v3;
	_ =	sdelay $0x1  }
0x51: {  	[tilespmem:s24+$0x400] =	vst v2  }
0x52: {  	v2 =	vld.idx.msk [tilespmem:v5+s3+$0x0], $0xffff;
	[tilespmem:s25+$0x1800] =	vst v6  }
0x53: {  	v5 =	vadd.s32 $0x278D, v0;
	v6 =	vld.idx.msk [tilespmem:v7+s3+$0x0], $0xffff;
	[tilespmem:s30+$0x2C00] =	vst v4  }
0x54: {  	v7 =	vadd.s32 $0x6978, v1;
	v4 =	vld.idx.msk [tilespmem:v8+s3+$0x0], $0xffff  }
0x55: {  	v8 =	vadd.s32 $0xAB63, v3;
	_ =	sdelay $0x1  }
0x56: {  	s14 =	simm.s32 $0x60;
	[tilespmem:s24+$0x800] =	vst v2  }
0x57: {  	s26 =	simm.s32 $0x30;
	s6 =	sand.u32 $0x300, s14;
	v5 =	vld.idx.msk [tilespmem:v5+s3+$0x0], $0xffff;
	[tilespmem:s25+$0x1C00] =	vst v6  }
0x58: {  	s7 =	sand.u32 $0x70, s26;
	s9 =	sadd.s32 s6, s20;
	v6 =	vld.idx.msk [tilespmem:v7+s3+$0x0], $0xffff;
	[tilespmem:s30+$0x3000] =	vst v4;
	v4 =	vadd.s32 $0x34BC, v0  }
0x59: {  	s13 =	sadd.s32 s7, s9;
	v7 =	vld.idx.msk [tilespmem:v8+s3+$0x0], $0xffff;
	v8 =	vadd.s32 $0x76A7, v1  }
0x5a: {  	v9 =	vadd.s32 $0xB892, v3;
	v2 =	vld [tilespmem:s13+$0x0];
	_ =	sdelay $0x1  }
0x5b: {  	[tilespmem:s24+$0xC00] =	vst v5  }
0x5c: {  	v4 =	vld.idx.msk [tilespmem:v4+s3+$0x0], $0xffff;
	[tilespmem:s25+$0x2000] =	vst v6  }
0x5d: {  	v6 =	vadd.s32 $0x41EB, v0;
	v5 =	vld.idx.msk [tilespmem:v8+s3+$0x0], $0xffff;
	[tilespmem:s30+$0x3400] =	vst v7  }
0x5e: {  	v8 =	vadd.s32 $0x83D6, v1;
	v7 =	vld.idx.msk [tilespmem:v9+s3+$0x0], $0xffff  }
0x5f: {  	v3 =	vadd.s32 $0xC5C1, v3;
	_ =	sdelay $0x1  }
0x60: {  	v9 =	vld.idx.msk [tilespmem:v2+s3+$0x0], $0xffff;
	[tilespmem:s24+$0x1000] =	vst v4  }
0x61: {  	v4 =	vadd.s32 $0xD2F, v2;
	v6 =	vld.idx.msk [tilespmem:v6+s3+$0x0], $0xffff;
	[tilespmem:s25+$0x2400] =	vst v5  }
0x62: {  	v5 =	vld.idx.msk [tilespmem:v8+s3+$0x0], $0xffff;
	[tilespmem:s30+$0x3800] =	vst v7;
	v7 =	vadd.s32 $0x4F1A, v0  }
0x63: {  	s6 =	sadd.s32 s6, s23;
	v8 =	vadd.s32 $0x9105, v1;
	v3 =	vld.idx.msk [tilespmem:v3+s3+$0x0], $0xffff  }
0x64: {  	s26 =	sadd.s32 s7, s6  }
0x65: {  	[tilespmem:s26+$0x0] =	vst v9  }
0x66: {  	v4 =	vld.idx.msk [tilespmem:v4+s3+$0x0], $0xffff;
	[tilespmem:s24+$0x1400] =	vst v6  }
0x67: {  	v9 =	vadd.s32 $0x1A5E, v2;
	v7 =	vld.idx.msk [tilespmem:v7+s3+$0x0], $0xffff;
	[tilespmem:s25+$0x2800] =	vst v5  }
0x68: {  	v5 =	vld.idx.msk [tilespmem:v8+s3+$0x0], $0xffff;
	[tilespmem:s30+$0x3C00] =	vst v3;
	v3 =	vadd.s32 $0x5C49, v0  }
0x69: {  	v8 =	vadd.s32 $0x9E34, v1;
	v6 =	vld [tilespmem:s0+$0x80];
	_ =	sdelay $0x1  }
0x6a: {  	[tilespmem:s26+$0x400] =	vst v4  }
0x6b: {  	s9 =	simm.s32 $0x80;
	v4 =	vld.idx.msk [tilespmem:v9+s3+$0x0], $0xffff;
	[tilespmem:s24+$0x1800] =	vst v7  }
0x6c: {  	s12 =	simm.s32 $0x40;
	s14 =	sand.u32 $0x300, s9;
	v7 =	vadd.s32 $0x278D, v2;
	v9 =	vld.idx.msk [tilespmem:v3+s3+$0x0], $0xffff;
	[tilespmem:s25+$0x2C00] =	vst v5  }
0x6d: {  	s6 =	sand.u32 $0x70, s12;
	s0 =	sadd.s32 s14, s20;
	v5 =	vld.idx.msk [tilespmem:v8+s3+$0x0], $0xffff;
	v8 =	vadd.s32 $0x6978, v0  }
0x6e: {  	v10 =	vadd.s32 $0xAB63, v1;
	s0 =	sadd.s32 s6, s0  }
0x6f: {  	v3 =	vld [tilespmem:s0+$0x0]  }
0x70: {  	[tilespmem:s26+$0x800] =	vst v4;
	v4 =	vld.idx.msk [tilespmem:v6+s3+$0x0], $0xffff  }
0x71: {  	v11 =	vadd.s32 $0xD2F, v6;
	v7 =	vld.idx.msk [tilespmem:v7+s3+$0x0], $0xffff;
	[tilespmem:s24+$0x1C00] =	vst v9  }
0x72: {  	v8 =	vld.idx.msk [tilespmem:v8+s3+$0x0], $0xffff;
	[tilespmem:s25+$0x3000] =	vst v5;
	v5 =	vadd.s32 $0x34BC, v2  }
0x73: {  	v9 =	vld.idx.msk [tilespmem:v10+s3+$0x0], $0xffff;
	v10 =	vadd.s32 $0x76A7, v0  }
0x74: {  	v12 =	vadd.s32 $0xB892, v1  }
0x75: {  	[tilespmem:s30+$0x80] =	vst v4  }
0x76: {  	[tilespmem:s26+$0xC00] =	vst v7;
	v4 =	vld.idx.msk [tilespmem:v11+s3+$0x0], $0xffff  }
0x77: {  	v7 =	vadd.s32 $0x1A5E, v6;
	v5 =	vld.idx.msk [tilespmem:v5+s3+$0x0], $0xffff;
	[tilespmem:s24+$0x2000] =	vst v8  }
0x78: {  	v8 =	vld.idx.msk [tilespmem:v10+s3+$0x0], $0xffff;
	[tilespmem:s25+$0x3400] =	vst v9;
	v9 =	vadd.s32 $0x41EB, v2  }
0x79: {  	v11 =	vadd.s32 $0x83D6, v0;
	v10 =	vld.idx.msk [tilespmem:v12+s3+$0x0], $0xffff  }
0x7a: {  	v1 =	vadd.s32 $0xC5C1, v1  }
0x7b: {  	v12 =	vld.idx.msk [tilespmem:v3+s3+$0x0], $0xffff;
	[tilespmem:s30+$0x480] =	vst v4  }
0x7c: {  	v4 =	vadd.s32 $0xD2F, v3;
	v7 =	vld.idx.msk [tilespmem:v7+s3+$0x0], $0xffff;
	[tilespmem:s26+$0x1000] =	vst v5  }
0x7d: {  	v5 =	vadd.s32 $0x278D, v6;
	v9 =	vld.idx.msk [tilespmem:v9+s3+$0x0], $0xffff;
	[tilespmem:s24+$0x2400] =	vst v8  }
0x7e: {  	s7 =	sadd.s32 s14, s23;
	v8 =	vld.idx.msk [tilespmem:v11+s3+$0x0], $0xffff;
	[tilespmem:s25+$0x3800] =	vst v10;
	v10 =	vadd.s32 $0x4F1A, v2  }
0x7f: {  	s28 =	sadd.s32 s6, s7;
	v11 =	vadd.s32 $0x9105, v0;
	v1 =	vld.idx.msk [tilespmem:v1+s3+$0x0], $0xffff  }
0x80: {  	[tilespmem:s28+$0x0] =	vst v12  }
0x81: {  	v4 =	vld.idx.msk [tilespmem:v4+s3+$0x0], $0xffff;
	[tilespmem:s30+$0x880] =	vst v7  }
0x82: {  	v5 =	vld.idx.msk [tilespmem:v5+s3+$0x0], $0xffff;
	[tilespmem:s26+$0x1400] =	vst v9  }
0x83: {  	v7 =	vadd.s32 $0x34BC, v6;
	v9 =	vld.idx.msk [tilespmem:v10+s3+$0x0], $0xffff;
	[tilespmem:s24+$0x2800] =	vst v8  }
0x84: {  	v8 =	vadd.s32 $0x1A5E, v3;
	v10 =	vld.idx.msk [tilespmem:v11+s3+$0x0], $0xffff;
	[tilespmem:s25+$0x3C00] =	vst v1  }
0x85: {  	v11 =	vadd.s32 $0x5C49, v2;
	v1 =	vld [tilespmem:s2+$0x80]  }
0x86: {  	v12 =	vadd.s32 $0x9E34, v0  }
0x87: {  	[tilespmem:s30+$0xC80] =	vst v5  }
0x88: {  	s9 =	simm.s32 $0xA0;
	[tilespmem:s28+$0x400] =	vst v4;
	v5 =	vld.idx.msk [tilespmem:v7+s3+$0x0], $0xffff  }
0x89: {  	s12 =	simm.s32 $0x50;
	s14 =	sand.u32 $0x300, s9;
	v7 =	vld.idx.msk [tilespmem:v8+s3+$0x0], $0xffff;
	[tilespmem:s26+$0x1800] =	vst v9;
	v8 =	vadd.s32 $0x41EB, v6  }
0x8a: {  	s6 =	sand.u32 $0x70, s12;
	s2 =	sadd.s32 s14, s20;
	v9 =	vadd.s32 $0x278D, v3;
	v11 =	vld.idx.msk [tilespmem:v11+s3+$0x0], $0xffff;
	[tilespmem:s24+$0x2C00] =	vst v10  }
0x8b: {  	s2 =	sadd.s32 s6, s2;
	v10 =	vld.idx.msk [tilespmem:v12+s3+$0x0], $0xffff;
	v12 =	vadd.s32 $0x6978, v2  }
0x8c: {  	v13 =	vadd.s32 $0xAB63, v0;
	v4 =	vld [tilespmem:s2+$0x0]  }
0x8d: {  	v14 =	vld.idx.msk [tilespmem:v1+s3+$0x0], $0xffff;
	[tilespmem:s30+$0x1080] =	vst v5  }
0x8e: {  	[tilespmem:s28+$0x800] =	vst v7;
	v7 =	vadd.s32 $0xD2F, v1;
	v5 =	vld.idx.msk [tilespmem:v8+s3+$0x0], $0xffff  }
0x8f: {  	v8 =	vld.idx.msk [tilespmem:v9+s3+$0x0], $0xffff;
	[tilespmem:s26+$0x1C00] =	vst v11;
	v9 =	vadd.s32 $0x4F1A, v6  }
0x90: {  	v11 =	vld.idx.msk [tilespmem:v12+s3+$0x0], $0xffff;
	[tilespmem:s24+$0x3000] =	vst v10;
	v10 =	vadd.s32 $0x34BC, v3  }
0x91: {  	v12 =	vld.idx.msk [tilespmem:v13+s3+$0x0], $0xffff;
	v13 =	vadd.s32 $0x76A7, v2  }
0x92: {  	[tilespmem:s25+$0x80] =	vst v14;
	v14 =	vadd.s32 $0xB892, v0  }
0x93: {  	v7 =	vld.idx.msk [tilespmem:v7+s3+$0x0], $0xffff;
	[tilespmem:s30+$0x1480] =	vst v5  }
0x94: {  	[tilespmem:s28+$0xC00] =	vst v8;
	v8 =	vadd.s32 $0x1A5E, v1;
	v5 =	vld.idx.msk [tilespmem:v9+s3+$0x0], $0xffff  }
0x95: {  	v9 =	vld.idx.msk [tilespmem:v10+s3+$0x0], $0xffff;
	[tilespmem:s26+$0x2000] =	vst v11;
	v10 =	vadd.s32 $0x5C49, v6  }
0x96: {  	v11 =	vld.idx.msk [tilespmem:v13+s3+$0x0], $0xffff;
	[tilespmem:s24+$0x3400] =	vst v12;
	v12 =	vadd.s32 $0x41EB, v3  }
0x97: {  	v13 =	vld.idx.msk [tilespmem:v14+s3+$0x0], $0xffff;
	v14 =	vadd.s32 $0x83D6, v2  }
0x98: {  	v15 =	vld.idx.msk [tilespmem:v4+s3+$0x0], $0xffff;
	v0 =	vadd.s32 $0xC5C1, v0;
	[tilespmem:s25+$0x480] =	vst v7  }
0x99: {  	v7 =	vadd.s32 $0xD2F, v4;
	v8 =	vld.idx.msk [tilespmem:v8+s3+$0x0], $0xffff;
	[tilespmem:s30+$0x1880] =	vst v5  }
0x9a: {  	[tilespmem:s28+$0x1000] =	vst v9;
	v9 =	vadd.s32 $0x278D, v1;
	v5 =	vld.idx.msk [tilespmem:v10+s3+$0x0], $0xffff  }
0x9b: {  	s7 =	sadd.s32 s14, s23;
	v10 =	vld.idx.msk [tilespmem:v12+s3+$0x0], $0xffff;
	[tilespmem:s26+$0x2400] =	vst v11  }
0x9c: {  	s9 =	simm.s32 $0xC0;
	s29 =	sadd.s32 s6, s7;
	v11 =	vadd.s32 $0x6978, v6;
	v12 =	vld.idx.msk [tilespmem:v14+s3+$0x0], $0xffff;
	[tilespmem:s24+$0x3800] =	vst v13  }
0x9d: {  	s12 =	simm.s32 $0x60;
	s6 =	sand.u32 $0x300, s9;
	[tilespmem:s29+$0x0] =	vst v15;
	v13 =	vadd.s32 $0x4F1A, v3;
	v0 =	vld.idx.msk [tilespmem:v0+s3+$0x0], $0xffff  }
0x9e: {  	s7 =	sand.u32 $0x70, s12;
	s14 =	sadd.s32 s6, s20;
	v14 =	vadd.s32 $0x9105, v2;
	v7 =	vld.idx.msk [tilespmem:v7+s3+$0x0], $0xffff;
	[tilespmem:s25+$0x880] =	vst v8  }
0x9f: {  	s12 =	sadd.s32 s7, s14;
	v9 =	vld.idx.msk [tilespmem:v9+s3+$0x0], $0xffff  }
0xa0: {  	v8 =	vadd.s32 $0x1A5E, v4;
	[tilespmem:s30+$0x1C80] =	vst v5;
	v5 =	vld [tilespmem:s12+$0x0]  }
0xa1: {  	[tilespmem:s28+$0x1400] =	vst v10;
	v11 =	vld.idx.msk [tilespmem:v11+s3+$0x0], $0xffff  }
0xa2: {  	v10 =	vadd.s32 $0x34BC, v1;
	v13 =	vld.idx.msk [tilespmem:v13+s3+$0x0], $0xffff;
	[tilespmem:s26+$0x2800] =	vst v12  }
0xa3: {  	v12 =	vadd.s32 $0x76A7, v6;
	v14 =	vld.idx.msk [tilespmem:v14+s3+$0x0], $0xffff;
	[tilespmem:s24+$0x3C00] =	vst v0  }
0xa4: {  	[tilespmem:s29+$0x400] =	vst v7;
	v7 =	vadd.s32 $0x5C49, v3;
	v0 =	vld [tilespmem:s5+$0x80]  }
0xa5: {  	v15 =	vadd.s32 $0x9E34, v2;
	v8 =	vld.idx.msk [tilespmem:v8+s3+$0x0], $0xffff  }
0xa6: {  	[tilespmem:s25+$0xC80] =	vst v9  }
0xa7: {  	v10 =	vld.idx.msk [tilespmem:v10+s3+$0x0], $0xffff;
	[tilespmem:s30+$0x2080] =	vst v11  }
0xa8: {  	v11 =	vld.idx.msk [tilespmem:v12+s3+$0x0], $0xffff;
	[tilespmem:s28+$0x1800] =	vst v13;
	v12 =	vadd.s32 $0x41EB, v1  }
0xa9: {  	v13 =	vadd.s32 $0x83D6, v6;
	v7 =	vld.idx.msk [tilespmem:v7+s3+$0x0], $0xffff;
	[tilespmem:s26+$0x2C00] =	vst v14  }
0xaa: {  	v9 =	vadd.s32 $0x278D, v4;
	[tilespmem:s29+$0x800] =	vst v8;
	v8 =	vld.idx.msk [tilespmem:v15+s3+$0x0], $0xffff  }
0xab: {  	v14 =	vadd.s32 $0x6978, v3;
	v17 =	vld.idx.msk [tilespmem:v5+s3+$0x0], $0xffff  }
0xac: {  	v15 =	vadd.s32 $0xAB63, v2;
	[tilespmem:s25+$0x1080] =	vst v10;
	v16 =	vld.idx.msk [tilespmem:v0+s3+$0x0], $0xffff  }
0xad: {  	v10 =	vld.idx.msk [tilespmem:v12+s3+$0x0], $0xffff;
	[tilespmem:s30+$0x2480] =	vst v11;
	v11 =	vadd.s32 $0xD2F, v0  }
0xae: {  	v12 =	vld.idx.msk [tilespmem:v13+s3+$0x0], $0xffff;
	[tilespmem:s28+$0x1C00] =	vst v7;
	v7 =	vadd.s32 $0x4F1A, v1  }
0xaf: {  	v9 =	vld.idx.msk [tilespmem:v9+s3+$0x0], $0xffff;
	[tilespmem:s26+$0x3000] =	vst v8;
	v8 =	vadd.s32 $0x9105, v6  }
0xb0: {  	v13 =	vld.idx.msk [tilespmem:v14+s3+$0x0], $0xffff;
	v14 =	vadd.s32 $0x34BC, v4  }
0xb1: {  	v18 =	vadd.s32 $0x76A7, v3;
	v15 =	vld.idx.msk [tilespmem:v15+s3+$0x0], $0xffff;
	[tilespmem:s24+$0x80] =	vst v16  }
0xb2: {  	v16 =	vadd.s32 $0xB892, v2;
	[tilespmem:s25+$0x1480] =	vst v10;
	v11 =	vld.idx.msk [tilespmem:v11+s3+$0x0], $0xffff  }
0xb3: {  	v10 =	vadd.s32 $0xD2F, v5;
	v7 =	vld.idx.msk [tilespmem:v7+s3+$0x0], $0xffff;
	[tilespmem:s30+$0x2880] =	vst v12  }
0xb4: {  	[tilespmem:s29+$0xC00] =	vst v9;
	v9 =	vadd.s32 $0x1A5E, v0;
	v8 =	vld.idx.msk [tilespmem:v8+s3+$0x0], $0xffff  }
0xb5: {  	s6 =	sadd.s32 s6, s23;
	v12 =	vld.idx.msk [tilespmem:v14+s3+$0x0], $0xffff;
	[tilespmem:s28+$0x2000] =	vst v13;
	v13 =	vadd.s32 $0x5C49, v1  }
0xb6: {  	s31 =	sadd.s32 s7, s6;
	v14 =	vld.idx.msk [tilespmem:v18+s3+$0x0], $0xffff;
	[tilespmem:s26+$0x3400] =	vst v15;
	v15 =	vadd.s32 $0x9E34, v6  }
0xb7: {  	[tilespmem:s31+$0x0] =	vst v17;
	v17 =	vadd.s32 $0x41EB, v4;
	v16 =	vld.idx.msk [tilespmem:v16+s3+$0x0], $0xffff  }
0xb8: {  	v18 =	vadd.s32 $0x83D6, v3;
	v10 =	vld.idx.msk [tilespmem:v10+s3+$0x0], $0xffff;
	[tilespmem:s24+$0x480] =	vst v11  }
0xb9: {  	v2 =	vadd.s32 $0xC5C1, v2;
	[tilespmem:s25+$0x1880] =	vst v7;
	v9 =	vld.idx.msk [tilespmem:v9+s3+$0x0], $0xffff  }
0xba: {  	v7 =	vadd.s32 $0x1A5E, v5;
	v11 =	vld.idx.msk [tilespmem:v13+s3+$0x0], $0xffff;
	[tilespmem:s30+$0x2C80] =	vst v8  }
0xbb: {  	[tilespmem:s29+$0x1000] =	vst v12;
	v8 =	vadd.s32 $0x278D, v0;
	v12 =	vld.idx.msk [tilespmem:v15+s3+$0x0], $0xffff  }
0xbc: {  	v13 =	vld.idx.msk [tilespmem:v17+s3+$0x0], $0xffff;
	[tilespmem:s28+$0x2400] =	vst v14;
	v14 =	vadd.s32 $0x6978, v1  }
0xbd: {  	v15 =	vld.idx.msk [tilespmem:v18+s3+$0x0], $0xffff;
	[tilespmem:s26+$0x3800] =	vst v16;
	v16 =	vadd.s32 $0xAB63, v6  }
0xbe: {  	[tilespmem:s31+$0x400] =	vst v10;
	v10 =	vadd.s32 $0x4F1A, v4;
	v2 =	vld.idx.msk [tilespmem:v2+s3+$0x0], $0xffff  }
0xbf: {  	v17 =	vld.idx.msk [tilespmem:v7+s3+$0x0], $0xffff;
	v7 =	vadd.s32 $0x9105, v3;
	[tilespmem:s24+$0x880] =	vst v9  }
0xc0: {  	[tilespmem:s25+$0x1C80] =	vst v11;
	v8 =	vld.idx.msk [tilespmem:v8+s3+$0x0], $0xffff  }
0xc1: {  	v9 =	vld.idx.msk [tilespmem:v14+s3+$0x0], $0xffff;
	[tilespmem:s30+$0x3080] =	vst v12  }
0xc2: {  	s7 =	simm.s32 $0xE0;
	v11 =	vadd.s32 $0x34BC, v0;
	[tilespmem:s29+$0x1400] =	vst v13;
	v12 =	vld.idx.msk [tilespmem:v16+s3+$0x0], $0xffff  }
0xc3: {  	s9 =	simm.s32 $0x70;
	s6 =	sand.u32 $0x300, s7;
	v13 =	vadd.s32 $0x76A7, v1;
	[tilespmem:s28+$0x2800] =	vst v15;
	v10 =	vld.idx.msk [tilespmem:v10+s3+$0x0], $0xffff  }
0xc4: {  	s9 =	sand.u32 $0x70, s9;
	s14 =	sadd.s32 s6, s20;
	v15 =	vadd.s32 $0xB892, v6;
	v14 =	vld.idx.msk [tilespmem:v7+s3+$0x0], $0xffff;
	[tilespmem:s26+$0x3C00] =	vst v2  }
0xc5: {  	s5 =	sadd.s32 s9, s14;
	v16 =	vadd.s32 $0x5C49, v4;
	v2 =	vld [tilespmem:s13+$0x80]  }
0xc6: {  	v18 =	vadd.s32 $0x9E34, v3;
	v7 =	vld [tilespmem:s5+$0x0];
	[tilespmem:s24+$0xC80] =	vst v8  }
0xc7: {  	v8 =	vadd.s32 $0x278D, v5;
	[tilespmem:s25+$0x2080] =	vst v9;
	v11 =	vld.idx.msk [tilespmem:v11+s3+$0x0], $0xffff  }
0xc8: {  	v9 =	vld.idx.msk [tilespmem:v13+s3+$0x0], $0xffff;
	[tilespmem:s30+$0x3480] =	vst v12  }
0xc9: {  	[tilespmem:s29+$0x1800] =	vst v10;
	v10 =	vadd.s32 $0x41EB, v0;
	v13 =	vld.idx.msk [tilespmem:v15+s3+$0x0], $0xffff  }
0xca: {  	v15 =	vld.idx.msk [tilespmem:v16+s3+$0x0], $0xffff;
	[tilespmem:s28+$0x2C00] =	vst v14;
	v14 =	vadd.s32 $0x83D6, v1  }
0xcb: {  	v6 =	vadd.s32 $0xC5C1, v6;
	[tilespmem:s31+$0x800] =	vst v17;
	v16 =	vld.idx.msk [tilespmem:v18+s3+$0x0], $0xffff  }
0xcc: {  	v17 =	vld.idx.msk [tilespmem:v8+s3+$0x0], $0xffff;
	v8 =	vadd.s32 $0x6978, v4  }
0xcd: {  	v18 =	vadd.s32 $0xAB63, v3;
	[tilespmem:s24+$0x1080] =	vst v11;
	v12 =	vld.idx.msk [tilespmem:v2+s3+$0x0], $0xffff  }
0xce: {  	[tilespmem:s25+$0x2480] =	vst v9;
	v11 =	vld.idx.msk [tilespmem:v10+s3+$0x0], $0xffff  }
0xcf: {  	v9 =	vld.idx.msk [tilespmem:v14+s3+$0x0], $0xffff;
	[tilespmem:s30+$0x3880] =	vst v13;
	v13 =	vadd.s32 $0xD2F, v2  }
0xd0: {  	[tilespmem:s29+$0x1C00] =	vst v15;
	v14 =	vadd.s32 $0x4F1A, v0;
	v10 =	vld.idx.msk [tilespmem:v6+s3+$0x0], $0xffff  }
0xd1: {  	[tilespmem:s28+$0x3000] =	vst v16;
	v15 =	vld.idx.msk [tilespmem:v8+s3+$0x0], $0xffff;
	v8 =	vadd.s32 $0x9105, v1  }
0xd2: {  	s13 =	simm.s32 $0x80;
	v16 =	vadd.s32 $0x34BC, v5;
	[tilespmem:s31+$0xC00] =	vst v17;
	v6 =	vld.idx.msk [tilespmem:v18+s3+$0x0], $0xffff  }
.LBB2_3:
0xd3: {  	p0 =	sne.s32 s13, $0x1F0;
	v17 =	vld.idx.msk [tilespmem:v7+s3+$0x0], $0xffff;
	v18 =	vadd.s32 $0x76A7, v4;
	[tilespmem:s26+$0x80] =	vst v12  }
0xd4: {  	v12 =	vadd.s32 $0xB892, v3;
	v13 =	vld.idx.msk [tilespmem:v13+s3+$0x0], $0xffff;
	[tilespmem:s24+$0x1480] =	vst v11  }
0xd5: {  	v11 =	vadd.s32 $0xD2F, v7;
	v14 =	vld.idx.msk [tilespmem:v14+s3+$0x0], $0xffff;
	[tilespmem:s25+$0x2880] =	vst v9  }
0xd6: {  	v9 =	vadd.s32 $0x1A5E, v2;
	v8 =	vld.idx.msk [tilespmem:v8+s3+$0x0], $0xffff;
	[tilespmem:s30+$0x3C80] =	vst v10;
	s30 =	smov.u32 s25;
	s25 =	smov.u32 s24;
	s24 =	smov.u32 s26  }
0xd7: {  	s6 =	sadd.s32 s6, s23;
	s26 =	smov.u32 s28;
	s28 =	smov.u32 s29;
	v10 =	vld.idx.msk [tilespmem:v16+s3+$0x0], $0xffff;
	[tilespmem:s29+$0x2000] =	vst v15;
	v15 =	vadd.s32 $0x5C49, v0  }
0xd8: {  	s29 =	smov.u32 s31;
	s31 =	sadd.s32 s9, s6;
	v16 =	vld.idx.msk [tilespmem:v18+s3+$0x0], $0xffff;
	[tilespmem:s26+$0x3400] =	vst v6;
	v6 =	vadd.s32 $0x9E34, v1  }
0xd9: {  	[tilespmem:s31+$0x0] =	vst v17;
	v17 =	vadd.s32 $0x41EB, v5;
	v12 =	vld.idx.msk [tilespmem:v12+s3+$0x0], $0xffff  }
0xda: {  	v18 =	vadd.s32 $0x83D6, v4;
	v11 =	vld.idx.msk [tilespmem:v11+s3+$0x0], $0xffff;
	[tilespmem:s24+$0x480] =	vst v13  }
0xdb: {  	v13 =	vadd.s32 $0xC5C1, v3;
	v3 =	vmovc v4;
	v4 =	vmov v5;
	v5 =	vmov v7;
	v9 =	vld.idx.msk [tilespmem:v9+s3+$0x0], $0xffff;
	[tilespmem:s25+$0x1880] =	vst v14  }
0xdc: {  	v7 =	vadd.s32 $0x1A5E, v5;
	v14 =	vld.idx.msk [tilespmem:v15+s3+$0x0], $0xffff;
	[tilespmem:s30+$0x2C80] =	vst v8  }
0xdd: {  	v8 =	vadd.s32 $0x278D, v2;
	[tilespmem:s29+$0x1000] =	vst v10;
	v6 =	vld.idx.msk [tilespmem:v6+s3+$0x0], $0xffff  }
0xde: {  	v15 =	vadd.s32 $0x6978, v0;
	v10 =	vld.idx.msk [tilespmem:v17+s3+$0x0], $0xffff;
	[tilespmem:s28+$0x2400] =	vst v16  }
0xdf: {  	v16 =	vld.idx.msk [tilespmem:v18+s3+$0x0], $0xffff;
	[tilespmem:s26+$0x3800] =	vst v12;
	v12 =	vadd.s32 $0xAB63, v1  }
0xe0: {  	[tilespmem:s31+$0x400] =	vst v11;
	v11 =	vadd.s32 $0x4F1A, v4;
	v13 =	vld.idx.msk [tilespmem:v13+s3+$0x0], $0xffff  }
0xe1: {  	v17 =	vld.idx.msk [tilespmem:v7+s3+$0x0], $0xffff;
	v7 =	vadd.s32 $0x9105, v3;
	[tilespmem:s24+$0x880] =	vst v9  }
0xe2: {  	v8 =	vld.idx.msk [tilespmem:v8+s3+$0x0], $0xffff;
	[tilespmem:s25+$0x1C80] =	vst v14  }
0xe3: {  	v9 =	vld.idx.msk [tilespmem:v15+s3+$0x0], $0xffff;
	[tilespmem:s30+$0x3080] =	vst v6  }
0xe4: {  	s7 =	sadd.s32 $0x20, s7;
	v6 =	vadd.s32 $0x34BC, v2;
	[tilespmem:s29+$0x1400] =	vst v10;
	v10 =	vld.idx.msk [tilespmem:v12+s3+$0x0], $0xffff  }
0xe5: {  	s6 =	sand.u32 $0x300, s7;
	v12 =	vadd.s32 $0x76A7, v0;
	v11 =	vld.idx.msk [tilespmem:v11+s3+$0x0], $0xffff;
	[tilespmem:s28+$0x2800] =	vst v16  }
0xe6: {  	s9 =	sand.u32 $0x70, s13;
	s14 =	sadd.s32 s6, s20;
	v14 =	vld.idx.msk [tilespmem:v7+s3+$0x0], $0xffff;
	[tilespmem:s26+$0x3C00] =	vst v13;
	v13 =	vadd.s32 $0xB892, v1  }
0xe7: {  	s14 =	sadd.s32 s9, s14;
	v15 =	vadd.s32 $0x5C49, v4;
	v16 =	vld [tilespmem:s0+$0x80];
	s0 =	smov.u32 s2;
	s2 =	smov.u32 s12  }
0xe8: {  	v18 =	vadd.s32 $0x9E34, v3;
	s12 =	smov.u32 s5;
	s5 =	smov.u32 s14;
	v7 =	vld [tilespmem:s14+$0x0];
	[tilespmem:s24+$0xC80] =	vst v8  }
0xe9: {  	v8 =	vadd.s32 $0x278D, v5;
	v6 =	vld.idx.msk [tilespmem:v6+s3+$0x0], $0xffff;
	[tilespmem:s25+$0x2080] =	vst v9  }
0xea: {  	v9 =	vld.idx.msk [tilespmem:v12+s3+$0x0], $0xffff;
	[tilespmem:s30+$0x3480] =	vst v10  }
0xeb: {  	v10 =	vadd.s32 $0x41EB, v2;
	[tilespmem:s29+$0x1800] =	vst v11;
	v19 =	vld.idx.msk [tilespmem:v13+s3+$0x0], $0xffff  }
0xec: {  	v15 =	vld.idx.msk [tilespmem:v15+s3+$0x0], $0xffff;
	[tilespmem:s28+$0x2C00] =	vst v14;
	v14 =	vadd.s32 $0x83D6, v0  }
0xed: {  	[tilespmem:s31+$0x800] =	vst v17;
	v17 =	vld.idx.msk [tilespmem:v18+s3+$0x0], $0xffff;
	v18 =	vadd.s32 $0xC5C1, v1;
	v1 =	vmovc v0;
	v0 =	vmov v2;
	v2 =	vmov v16  }
0xee: {  	v20 =	vld.idx.msk [tilespmem:v8+s3+$0x0], $0xffff;
	v8 =	vadd.s32 $0x6978, v4  }
0xef: {  	v21 =	vadd.s32 $0xAB63, v3;
	v12 =	vld.idx.msk [tilespmem:v16+s3+$0x0], $0xffff;
	[tilespmem:s24+$0x1080] =	vst v6  }
.Ltmp0:
0xf0: {  	v11 =	vld.idx.msk [tilespmem:v10+s3+$0x0], $0xffff;
	[tilespmem:s25+$0x2480] =	vst v9;
	(pc) =	sbr.rel @p0 .LBB2_3-.Ltmp0, $4  }
0xf1: {  	v13 =	vadd.s32 $0xD2F, v2;
	v9 =	vld.idx.msk [tilespmem:v14+s3+$0x0], $0xffff;
	[tilespmem:s30+$0x3880] =	vst v19  }
0xf2: {  	v14 =	vadd.s32 $0x4F1A, v0;
	[tilespmem:s29+$0x1C00] =	vst v15;
	v10 =	vld.idx.msk [tilespmem:v18+s3+$0x0], $0xffff  }
0xf3: {  	v15 =	vld.idx.msk [tilespmem:v8+s3+$0x0], $0xffff;
	[tilespmem:s28+$0x3000] =	vst v17;
	v8 =	vadd.s32 $0x9105, v1  }
0xf4: {  	s13 =	sadd.s32 $0x10, s13;
	v16 =	vadd.s32 $0x34BC, v5;
	[tilespmem:s31+$0xC00] =	vst v20;
	v6 =	vld.idx.msk [tilespmem:v21+s3+$0x0], $0xffff  }
0xf5: {  	_ =	sdelay $0x3  }
0xf6: {  	v17 =	vld.idx.msk [tilespmem:v7+s3+$0x0], $0xffff  }
0xf7: {  	v18 =	vadd.s32 $0xD2F, v7;
	_ =	sdelay $0x1  }
0xf8: {  	s6 =	sadd.s32 s6, s23  }
0xf9: {  	s13 =	sadd.s32 s9, s6  }
0xfa: {  	[tilespmem:s13+$0x0] =	vst v17  }
0xfb: {  	v17 =	vld.idx.msk [tilespmem:v18+s3+$0x0], $0xffff  }
0xfc: {  	v61 =	vadd.s32 $0x1A5E, v7;
	_ =	sdelay $0x3  }
0xfd: {  	[tilespmem:s13+$0x400] =	vst v17  }
0xfe: {  	v17 =	vld.idx.msk [tilespmem:v61+s3+$0x0], $0xffff  }
0xff: {  	v62 =	vadd.s32 $0x278D, v7;
	_ =	sdelay $0x3  }
0x100: {  	[tilespmem:s13+$0x800] =	vst v17  }
0x101: {  	v17 =	vld.idx.msk [tilespmem:v62+s3+$0x0], $0xffff  }
0x102: {  	v63 =	vadd.s32 $0x34BC, v7;
	_ =	sdelay $0x3  }
0x103: {  	v16 =	vld.idx.msk [tilespmem:v16+s3+$0x0], $0xffff;
	[tilespmem:s13+$0xC00] =	vst v17  }
0x104: {  	v21 =	vadd.s32 $0x41EB, v5;
	v18 =	vld.idx.msk [tilespmem:v63+s3+$0x0], $0xffff  }
0x105: {  	v19 =	vadd.s32 $0x41EB, v7;
	_ =	sdelay $0x2  }
0x106: {  	[tilespmem:s31+$0x1000] =	vst v16  }
0x107: {  	v16 =	vld.idx.msk [tilespmem:v21+s3+$0x0], $0xffff;
	[tilespmem:s13+$0x1000] =	vst v18  }
0x108: {  	v22 =	vadd.s32 $0x4F1A, v5;
	v18 =	vld.idx.msk [tilespmem:v19+s3+$0x0], $0xffff  }
0x109: {  	v23 =	vadd.s32 $0x4F1A, v7;
	_ =	sdelay $0x2  }
0x10a: {  	[tilespmem:s31+$0x1400] =	vst v16  }
0x10b: {  	v16 =	vld.idx.msk [tilespmem:v22+s3+$0x0], $0xffff;
	[tilespmem:s13+$0x1400] =	vst v18  }
0x10c: {  	v24 =	vadd.s32 $0x5C49, v5;
	v18 =	vld.idx.msk [tilespmem:v23+s3+$0x0], $0xffff  }
0x10d: {  	v25 =	vadd.s32 $0x5C49, v7;
	_ =	sdelay $0x2  }
0x10e: {  	[tilespmem:s31+$0x1800] =	vst v16  }
0x10f: {  	v16 =	vld.idx.msk [tilespmem:v24+s3+$0x0], $0xffff;
	[tilespmem:s13+$0x1800] =	vst v18  }
0x110: {  	v26 =	vadd.s32 $0x6978, v5;
	v18 =	vld.idx.msk [tilespmem:v25+s3+$0x0], $0xffff  }
0x111: {  	v27 =	vadd.s32 $0x6978, v7;
	_ =	sdelay $0x2  }
0x112: {  	v28 =	vadd.s32 $0x76A7, v4;
	[tilespmem:s31+$0x1C00] =	vst v16  }
0x113: {  	v17 =	vld.idx.msk [tilespmem:v26+s3+$0x0], $0xffff;
	[tilespmem:s13+$0x1C00] =	vst v18  }
0x114: {  	v29 =	vadd.s32 $0x76A7, v5;
	v19 =	vld.idx.msk [tilespmem:v27+s3+$0x0], $0xffff  }
0x115: {  	v20 =	vadd.s32 $0x76A7, v7  }
0x116: {  	[tilespmem:s29+$0x2000] =	vst v15  }
0x117: {  	v15 =	vld.idx.msk [tilespmem:v28+s3+$0x0], $0xffff  }
0x118: {  	v30 =	vadd.s32 $0x83D6, v4;
	[tilespmem:s31+$0x2000] =	vst v17  }
0x119: {  	v17 =	vld.idx.msk [tilespmem:v29+s3+$0x0], $0xffff;
	[tilespmem:s13+$0x2000] =	vst v19  }
0x11a: {  	v31 =	vadd.s32 $0x83D6, v5;
	v19 =	vld.idx.msk [tilespmem:v20+s3+$0x0], $0xffff  }
0x11b: {  	v32 =	vadd.s32 $0x83D6, v7  }
0x11c: {  	[tilespmem:s29+$0x2400] =	vst v15  }
0x11d: {  	v15 =	vld.idx.msk [tilespmem:v30+s3+$0x0], $0xffff  }
0x11e: {  	v33 =	vadd.s32 $0x9105, v4;
	[tilespmem:s31+$0x2400] =	vst v17  }
0x11f: {  	v17 =	vld.idx.msk [tilespmem:v31+s3+$0x0], $0xffff;
	[tilespmem:s13+$0x2400] =	vst v19  }
0x120: {  	v34 =	vadd.s32 $0x9105, v5;
	v19 =	vld.idx.msk [tilespmem:v32+s3+$0x0], $0xffff  }
0x121: {  	v35 =	vadd.s32 $0x9105, v7  }
0x122: {  	[tilespmem:s29+$0x2800] =	vst v15  }
0x123: {  	v15 =	vld.idx.msk [tilespmem:v33+s3+$0x0], $0xffff  }
0x124: {  	v36 =	vadd.s32 $0x9E34, v4;
	[tilespmem:s31+$0x2800] =	vst v17  }
0x125: {  	v17 =	vld.idx.msk [tilespmem:v34+s3+$0x0], $0xffff;
	[tilespmem:s13+$0x2800] =	vst v19  }
0x126: {  	v37 =	vadd.s32 $0x9E34, v5;
	v19 =	vld.idx.msk [tilespmem:v35+s3+$0x0], $0xffff  }
0x127: {  	v38 =	vadd.s32 $0x9E34, v7  }
0x128: {  	[tilespmem:s29+$0x2C00] =	vst v15  }
0x129: {  	v15 =	vld.idx.msk [tilespmem:v36+s3+$0x0], $0xffff  }
0x12a: {  	v39 =	vadd.s32 $0xAB63, v4;
	[tilespmem:s31+$0x2C00] =	vst v17  }
0x12b: {  	v17 =	vld.idx.msk [tilespmem:v37+s3+$0x0], $0xffff;
	[tilespmem:s13+$0x2C00] =	vst v19  }
0x12c: {  	v40 =	vadd.s32 $0xAB63, v5;
	v19 =	vld.idx.msk [tilespmem:v38+s3+$0x0], $0xffff  }
0x12d: {  	v41 =	vadd.s32 $0xAB63, v7  }
0x12e: {  	[tilespmem:s29+$0x3000] =	vst v15  }
0x12f: {  	v42 =	vadd.s32 $0xB892, v3;
	v16 =	vld.idx.msk [tilespmem:v39+s3+$0x0], $0xffff  }
0x130: {  	v43 =	vadd.s32 $0xB892, v4;
	[tilespmem:s31+$0x3000] =	vst v17  }
0x131: {  	v18 =	vld.idx.msk [tilespmem:v40+s3+$0x0], $0xffff;
	[tilespmem:s13+$0x3000] =	vst v19  }
0x132: {  	v44 =	vadd.s32 $0xB892, v5;
	v20 =	vld.idx.msk [tilespmem:v41+s3+$0x0], $0xffff  }
0x133: {  	[tilespmem:s28+$0x3400] =	vst v6;
	v21 =	vadd.s32 $0xB892, v7  }
0x134: {  	v6 =	vld.idx.msk [tilespmem:v42+s3+$0x0], $0xffff;
	[tilespmem:s29+$0x3400] =	vst v16  }
0x135: {  	v45 =	vadd.s32 $0xC5C1, v3;
	v46 =	vld.idx.msk [tilespmem:v43+s3+$0x0], $0xffff  }
0x136: {  	v47 =	vadd.s32 $0xC5C1, v4;
	[tilespmem:s31+$0x3400] =	vst v18  }
0x137: {  	v48 =	vld.idx.msk [tilespmem:v44+s3+$0x0], $0xffff;
	[tilespmem:s13+$0x3400] =	vst v20  }
0x138: {  	v49 =	vadd.s32 $0xC5C1, v5;
	v50 =	vld.idx.msk [tilespmem:v21+s3+$0x0], $0xffff  }
0x139: {  	v51 =	vadd.s32 $0xC5C1, v7;
	[tilespmem:s28+$0x3800] =	vst v6  }
0x13a: {  	v3 =	vld.idx.msk [tilespmem:v45+s3+$0x0], $0xffff;
	[tilespmem:s29+$0x3800] =	vst v46  }
0x13b: {  	v4 =	vld.idx.msk [tilespmem:v47+s3+$0x0], $0xffff  }
0x13c: {  	[tilespmem:s31+$0x3800] =	vst v48  }
0x13d: {  	v52 =	vld.idx.msk [tilespmem:v49+s3+$0x0], $0xffff;
	[tilespmem:s13+$0x3800] =	vst v50  }
0x13e: {  	v7 =	vld.idx.msk [tilespmem:v51+s3+$0x0], $0xffff  }
0x13f: {  	[tilespmem:s28+$0x3C00] =	vst v3  }
0x140: {  	v6 =	vld [tilespmem:s0+$0x80];
	[tilespmem:s29+$0x3C00] =	vst v4  }
0x141: {  	v5 =	vld [tilespmem:s2+$0x80]  }
0x142: {  	[tilespmem:s31+$0x3C00] =	vst v52  }
0x143: {  	v4 =	vld [tilespmem:s12+$0x80];
	[tilespmem:s13+$0x3C00] =	vst v7  }
0x144: {  	v3 =	vld [tilespmem:s5+$0x80];
	_ =	sdelay $0x3  }
0x145: {  	v53 =	vld.idx.msk [tilespmem:v6+s3+$0x0], $0xffff  }
0x146: {  	v54 =	vadd.s32 $0xD2F, v6;
	v55 =	vld.idx.msk [tilespmem:v5+s3+$0x0], $0xffff  }
0x147: {  	[tilespmem:s26+$0x80] =	vst v12;
	v56 =	vadd.s32 $0xD2F, v5  }
0x148: {  	[tilespmem:s24+$0x1480] =	vst v11;
	v16 =	vld.idx.msk [tilespmem:v4+s3+$0x0], $0xffff  }
0x149: {  	[tilespmem:s25+$0x2880] =	vst v9;
	v57 =	vadd.s32 $0xD2F, v4;
	v17 =	vld.idx.msk [tilespmem:v3+s3+$0x0], $0xffff  }
0x14a: {  	v13 =	vld.idx.msk [tilespmem:v13+s3+$0x0], $0xffff;
	[tilespmem:s28+$0x80] =	vst v53;
	v58 =	vadd.s32 $0xD2F, v3  }
0x14b: {  	v59 =	vadd.s32 $0x1A5E, v2;
	v12 =	vld.idx.msk [tilespmem:v54+s3+$0x0], $0xffff;
	[tilespmem:s29+$0x80] =	vst v55  }
0x14c: {  	[tilespmem:s30+$0x3C80] =	vst v10;
	v60 =	vadd.s32 $0x1A5E, v6;
	v11 =	vld.idx.msk [tilespmem:v56+s3+$0x0], $0xffff  }
0x14d: {  	v14 =	vld.idx.msk [tilespmem:v14+s3+$0x0], $0xffff;
	v61 =	vadd.s32 $0x1A5E, v5;
	[tilespmem:s31+$0x80] =	vst v16  }
0x14e: {  	v9 =	vld.idx.msk [tilespmem:v57+s3+$0x0], $0xffff;
	[tilespmem:s13+$0x80] =	vst v17  }
0x14f: {  	[tilespmem:s26+$0x480] =	vst v13;
	v62 =	vadd.s32 $0x1A5E, v4;
	v10 =	vld.idx.msk [tilespmem:v58+s3+$0x0], $0xffff  }
0x150: {  	[tilespmem:s28+$0x480] =	vst v12;
	v7 =	vld.idx.msk [tilespmem:v59+s3+$0x0], $0xffff;
	v63 =	vadd.s32 $0x1A5E, v3  }
0x151: {  	v15 =	vld.idx.msk [tilespmem:v60+s3+$0x0], $0xffff;
	[tilespmem:s29+$0x480] =	vst v11;
	v21 =	vadd.s32 $0x278D, v2  }
0x152: {  	[tilespmem:s24+$0x1880] =	vst v14;
	v22 =	vadd.s32 $0x278D, v6;
	v16 =	vld.idx.msk [tilespmem:v61+s3+$0x0], $0xffff  }
0x153: {  	v8 =	vld.idx.msk [tilespmem:v8+s3+$0x0], $0xffff;
	v23 =	vadd.s32 $0x278D, v5;
	[tilespmem:s31+$0x480] =	vst v9  }
0x154: {  	v27 =	vadd.s32 $0x9E34, v1;
	v13 =	vld.idx.msk [tilespmem:v62+s3+$0x0], $0xffff;
	[tilespmem:s13+$0x480] =	vst v10  }
0x155: {  	v24 =	vadd.s32 $0x278D, v4;
	[tilespmem:s26+$0x880] =	vst v7;
	v10 =	vld.idx.msk [tilespmem:v63+s3+$0x0], $0xffff  }
0x156: {  	[tilespmem:s28+$0x880] =	vst v15;
	v26 =	vadd.s32 $0x278D, v3;
	v12 =	vld.idx.msk [tilespmem:v21+s3+$0x0], $0xffff  }
0x157: {  	v28 =	vadd.s32 $0x34BC, v2;
	v11 =	vld.idx.msk [tilespmem:v22+s3+$0x0], $0xffff;
	[tilespmem:s29+$0x880] =	vst v16  }
0x158: {  	[tilespmem:s25+$0x2C80] =	vst v8;
	v29 =	vadd.s32 $0x34BC, v6;
	v9 =	vld.idx.msk [tilespmem:v23+s3+$0x0], $0xffff  }
0x159: {  	v30 =	vadd.s32 $0x34BC, v5;
	v32 =	vld.idx.msk [tilespmem:v27+s3+$0x0], $0xffff;
	[tilespmem:s31+$0x880] =	vst v13  }
0x15a: {  	v41 =	vadd.s32 $0xAB63, v1;
	v8 =	vld.idx.msk [tilespmem:v24+s3+$0x0], $0xffff;
	[tilespmem:s13+$0x880] =	vst v10  }
0x15b: {  	v31 =	vadd.s32 $0x34BC, v4;
	[tilespmem:s26+$0xC80] =	vst v12;
	v7 =	vld.idx.msk [tilespmem:v26+s3+$0x0], $0xffff  }
0x15c: {  	[tilespmem:s28+$0xC80] =	vst v11;
	v33 =	vadd.s32 $0x34BC, v3;
	v15 =	vld.idx.msk [tilespmem:v28+s3+$0x0], $0xffff  }
0x15d: {  	v35 =	vadd.s32 $0x41EB, v2;
	v16 =	vld.idx.msk [tilespmem:v29+s3+$0x0], $0xffff;
	[tilespmem:s29+$0xC80] =	vst v9  }
0x15e: {  	v36 =	vadd.s32 $0x41EB, v6;
	[tilespmem:s25+$0x3080] =	vst v32;
	v13 =	vld.idx.msk [tilespmem:v30+s3+$0x0], $0xffff  }
0x15f: {  	v37 =	vadd.s32 $0x41EB, v5;
	v47 =	vld.idx.msk [tilespmem:v41+s3+$0x0], $0xffff;
	[tilespmem:s31+$0xC80] =	vst v8  }
0x160: {  	v20 =	vadd.s32 $0x5C49, v0;
	v10 =	vld.idx.msk [tilespmem:v31+s3+$0x0], $0xffff;
	[tilespmem:s13+$0xC80] =	vst v7  }
0x161: {  	v38 =	vadd.s32 $0x41EB, v4;
	[tilespmem:s26+$0x1080] =	vst v15;
	v12 =	vld.idx.msk [tilespmem:v33+s3+$0x0], $0xffff  }
0x162: {  	[tilespmem:s28+$0x1080] =	vst v16;
	v40 =	vadd.s32 $0x41EB, v3;
	v11 =	vld.idx.msk [tilespmem:v35+s3+$0x0], $0xffff  }
0x163: {  	v42 =	vadd.s32 $0x4F1A, v2;
	v9 =	vld.idx.msk [tilespmem:v36+s3+$0x0], $0xffff;
	[tilespmem:s29+$0x1080] =	vst v13  }
0x164: {  	v43 =	vadd.s32 $0x4F1A, v6;
	[tilespmem:s25+$0x3480] =	vst v47;
	v8 =	vld.idx.msk [tilespmem:v37+s3+$0x0], $0xffff  }
0x165: {  	v44 =	vadd.s32 $0x4F1A, v5;
	v25 =	vld.idx.msk [tilespmem:v20+s3+$0x0], $0xffff;
	[tilespmem:s31+$0x1080] =	vst v10  }
0x166: {  	v56 =	vadd.s32 $0xB892, v1;
	v7 =	vld.idx.msk [tilespmem:v38+s3+$0x0], $0xffff;
	[tilespmem:s13+$0x1080] =	vst v12  }
0x167: {  	v45 =	vadd.s32 $0x4F1A, v4;
	[tilespmem:s26+$0x1480] =	vst v11;
	v46 =	vld.idx.msk [tilespmem:v40+s3+$0x0], $0xffff  }
0x168: {  	v48 =	vadd.s32 $0x4F1A, v3;
	[tilespmem:s28+$0x1480] =	vst v9;
	v16 =	vld.idx.msk [tilespmem:v42+s3+$0x0], $0xffff  }
0x169: {  	v50 =	vadd.s32 $0x5C49, v2;
	v13 =	vld.idx.msk [tilespmem:v43+s3+$0x0], $0xffff;
	[tilespmem:s29+$0x1480] =	vst v8  }
0x16a: {  	v51 =	vadd.s32 $0x5C49, v6;
	[tilespmem:s24+$0x1C80] =	vst v25;
	v10 =	vld.idx.msk [tilespmem:v44+s3+$0x0], $0xffff  }
0x16b: {  	v52 =	vadd.s32 $0x5C49, v5;
	v62 =	vld.idx.msk [tilespmem:v56+s3+$0x0], $0xffff;
	[tilespmem:s31+$0x1480] =	vst v7  }
0x16c: {  	v34 =	vadd.s32 $0x6978, v0;
	v12 =	vld.idx.msk [tilespmem:v45+s3+$0x0], $0xffff;
	[tilespmem:s13+$0x1480] =	vst v46  }
0x16d: {  	v53 =	vadd.s32 $0x5C49, v4;
	[tilespmem:s26+$0x1880] =	vst v16;
	v11 =	vld.idx.msk [tilespmem:v48+s3+$0x0], $0xffff  }
0x16e: {  	v55 =	vadd.s32 $0x5C49, v3;
	[tilespmem:s28+$0x1880] =	vst v13;
	v9 =	vld.idx.msk [tilespmem:v50+s3+$0x0], $0xffff  }
0x16f: {  	v57 =	vadd.s32 $0x6978, v2;
	v8 =	vld.idx.msk [tilespmem:v51+s3+$0x0], $0xffff;
	[tilespmem:s29+$0x1880] =	vst v10  }
0x170: {  	[tilespmem:s25+$0x3880] =	vst v62;
	v58 =	vadd.s32 $0x6978, v6;
	v7 =	vld.idx.msk [tilespmem:v52+s3+$0x0], $0xffff  }
0x171: {  	v39 =	vld.idx.msk [tilespmem:v34+s3+$0x0], $0xffff;
	v59 =	vadd.s32 $0x6978, v5;
	[tilespmem:s31+$0x1880] =	vst v12  }
0x172: {  	v27 =	vadd.s32 $0xC5C1, v1;
	v14 =	vld.idx.msk [tilespmem:v53+s3+$0x0], $0xffff;
	[tilespmem:s13+$0x1880] =	vst v11  }
0x173: {  	v60 =	vadd.s32 $0x6978, v4;
	[tilespmem:s26+$0x1C80] =	vst v9;
	v61 =	vld.idx.msk [tilespmem:v55+s3+$0x0], $0xffff  }
0x174: {  	[tilespmem:s28+$0x1C80] =	vst v8;
	v63 =	vadd.s32 $0x6978, v3;
	v13 =	vld.idx.msk [tilespmem:v57+s3+$0x0], $0xffff  }
0x175: {  	v21 =	vadd.s32 $0x76A7, v2;
	v10 =	vld.idx.msk [tilespmem:v58+s3+$0x0], $0xffff;
	[tilespmem:s29+$0x1C80] =	vst v7  }
0x176: {  	v22 =	vadd.s32 $0x76A7, v6;
	[tilespmem:s24+$0x2080] =	vst v39;
	v12 =	vld.idx.msk [tilespmem:v59+s3+$0x0], $0xffff  }
0x177: {  	v23 =	vadd.s32 $0x76A7, v5;
	v1 =	vld.idx.msk [tilespmem:v27+s3+$0x0], $0xffff;
	[tilespmem:s31+$0x1C80] =	vst v14  }
0x178: {  	v49 =	vadd.s32 $0x76A7, v0;
	v11 =	vld.idx.msk [tilespmem:v60+s3+$0x0], $0xffff;
	[tilespmem:s13+$0x1C80] =	vst v61  }
0x179: {  	v24 =	vadd.s32 $0x76A7, v4;
	[tilespmem:s26+$0x2080] =	vst v13;
	v9 =	vld.idx.msk [tilespmem:v63+s3+$0x0], $0xffff  }
0x17a: {  	v26 =	vadd.s32 $0x76A7, v3;
	[tilespmem:s28+$0x2080] =	vst v10;
	v8 =	vld.idx.msk [tilespmem:v21+s3+$0x0], $0xffff  }
0x17b: {  	v28 =	vadd.s32 $0x83D6, v2;
	v7 =	vld.idx.msk [tilespmem:v22+s3+$0x0], $0xffff;
	[tilespmem:s29+$0x2080] =	vst v12  }
0x17c: {  	v29 =	vadd.s32 $0x83D6, v6;
	[tilespmem:s25+$0x3C80] =	vst v1;
	v14 =	vld.idx.msk [tilespmem:v23+s3+$0x0], $0xffff  }
0x17d: {  	v30 =	vadd.s32 $0x83D6, v5;
	v54 =	vld.idx.msk [tilespmem:v49+s3+$0x0], $0xffff;
	[tilespmem:s31+$0x2080] =	vst v11  }
0x17e: {  	v20 =	vadd.s32 $0x83D6, v0;
	v15 =	vld.idx.msk [tilespmem:v24+s3+$0x0], $0xffff;
	[tilespmem:s13+$0x2080] =	vst v9  }
0x17f: {  	v31 =	vadd.s32 $0x83D6, v4;
	[tilespmem:s26+$0x2480] =	vst v8;
	v13 =	vld.idx.msk [tilespmem:v26+s3+$0x0], $0xffff  }
0x180: {  	v32 =	vadd.s32 $0x83D6, v3;
	[tilespmem:s28+$0x2480] =	vst v7;
	v10 =	vld.idx.msk [tilespmem:v28+s3+$0x0], $0xffff  }
0x181: {  	v34 =	vadd.s32 $0x9105, v2;
	v12 =	vld.idx.msk [tilespmem:v29+s3+$0x0], $0xffff;
	[tilespmem:s29+$0x2480] =	vst v14  }
0x182: {  	[tilespmem:s24+$0x2480] =	vst v54;
	v35 =	vadd.s32 $0x9105, v6;
	v11 =	vld.idx.msk [tilespmem:v30+s3+$0x0], $0xffff  }
0x183: {  	v36 =	vadd.s32 $0x9105, v5;
	v25 =	vld.idx.msk [tilespmem:v20+s3+$0x0], $0xffff;
	[tilespmem:s31+$0x2480] =	vst v15  }
0x184: {  	v33 =	vadd.s32 $0x9105, v0;
	v9 =	vld.idx.msk [tilespmem:v31+s3+$0x0], $0xffff;
	[tilespmem:s13+$0x2480] =	vst v13  }
0x185: {  	v37 =	vadd.s32 $0x9105, v4;
	[tilespmem:s26+$0x2880] =	vst v10;
	v8 =	vld.idx.msk [tilespmem:v32+s3+$0x0], $0xffff  }
0x186: {  	v39 =	vadd.s32 $0x9105, v3;
	[tilespmem:s28+$0x2880] =	vst v12;
	v7 =	vld.idx.msk [tilespmem:v34+s3+$0x0], $0xffff  }
0x187: {  	v41 =	vadd.s32 $0x9E34, v2;
	v14 =	vld.idx.msk [tilespmem:v35+s3+$0x0], $0xffff;
	[tilespmem:s29+$0x2880] =	vst v11  }
0x188: {  	[tilespmem:s24+$0x2880] =	vst v25;
	v42 =	vadd.s32 $0x9E34, v6;
	v15 =	vld.idx.msk [tilespmem:v36+s3+$0x0], $0xffff  }
0x189: {  	v43 =	vadd.s32 $0x9E34, v5;
	v38 =	vld.idx.msk [tilespmem:v33+s3+$0x0], $0xffff;
	[tilespmem:s31+$0x2880] =	vst v9  }
0x18a: {  	v40 =	vadd.s32 $0x9E34, v0;
	v1 =	vld.idx.msk [tilespmem:v37+s3+$0x0], $0xffff;
	[tilespmem:s13+$0x2880] =	vst v8  }
0x18b: {  	v44 =	vadd.s32 $0x9E34, v4;
	[tilespmem:s26+$0x2C80] =	vst v7;
	v10 =	vld.idx.msk [tilespmem:v39+s3+$0x0], $0xffff  }
0x18c: {  	v45 =	vadd.s32 $0x9E34, v3;
	[tilespmem:s28+$0x2C80] =	vst v14;
	v12 =	vld.idx.msk [tilespmem:v41+s3+$0x0], $0xffff  }
0x18d: {  	v47 =	vadd.s32 $0xAB63, v2;
	v11 =	vld.idx.msk [tilespmem:v42+s3+$0x0], $0xffff;
	[tilespmem:s29+$0x2C80] =	vst v15  }
0x18e: {  	[tilespmem:s24+$0x2C80] =	vst v38;
	v48 =	vadd.s32 $0xAB63, v6;
	v9 =	vld.idx.msk [tilespmem:v43+s3+$0x0], $0xffff  }
0x18f: {  	v49 =	vadd.s32 $0xAB63, v5;
	v13 =	vld.idx.msk [tilespmem:v40+s3+$0x0], $0xffff;
	[tilespmem:s31+$0x2C80] =	vst v1  }
0x190: {  	v46 =	vadd.s32 $0xAB63, v0;
	v8 =	vld.idx.msk [tilespmem:v44+s3+$0x0], $0xffff;
	[tilespmem:s13+$0x2C80] =	vst v10  }
0x191: {  	v50 =	vadd.s32 $0xAB63, v4;
	[tilespmem:s26+$0x3080] =	vst v12;
	v7 =	vld.idx.msk [tilespmem:v45+s3+$0x0], $0xffff  }
0x192: {  	v51 =	vadd.s32 $0xAB63, v3;
	[tilespmem:s28+$0x3080] =	vst v11;
	v14 =	vld.idx.msk [tilespmem:v47+s3+$0x0], $0xffff  }
0x193: {  	v53 =	vadd.s32 $0xB892, v2;
	v15 =	vld.idx.msk [tilespmem:v48+s3+$0x0], $0xffff;
	[tilespmem:s29+$0x3080] =	vst v9  }
0x194: {  	v54 =	vadd.s32 $0xB892, v6;
	[tilespmem:s24+$0x3080] =	vst v13;
	v1 =	vld.idx.msk [tilespmem:v49+s3+$0x0], $0xffff  }
0x195: {  	v55 =	vadd.s32 $0xB892, v5;
	v13 =	vld.idx.msk [tilespmem:v46+s3+$0x0], $0xffff;
	[tilespmem:s31+$0x3080] =	vst v8  }
0x196: {  	v52 =	vadd.s32 $0xB892, v0;
	v10 =	vld.idx.msk [tilespmem:v50+s3+$0x0], $0xffff;
	[tilespmem:s13+$0x3080] =	vst v7  }
0x197: {  	v56 =	vadd.s32 $0xB892, v4;
	[tilespmem:s26+$0x3480] =	vst v14;
	v12 =	vld.idx.msk [tilespmem:v51+s3+$0x0], $0xffff  }
0x198: {  	v57 =	vadd.s32 $0xB892, v3;
	[tilespmem:s28+$0x3480] =	vst v15;
	v11 =	vld.idx.msk [tilespmem:v53+s3+$0x0], $0xffff  }
0x199: {  	v59 =	vadd.s32 $0xC5C1, v2;
	v9 =	vld.idx.msk [tilespmem:v54+s3+$0x0], $0xffff;
	[tilespmem:s29+$0x3480] =	vst v1  }
0x19a: {  	v60 =	vadd.s32 $0xC5C1, v6;
	[tilespmem:s24+$0x3480] =	vst v13;
	v61 =	vld.idx.msk [tilespmem:v55+s3+$0x0], $0xffff  }
0x19b: {  	v5 =	vadd.s32 $0xC5C1, v5;
	v13 =	vld.idx.msk [tilespmem:v52+s3+$0x0], $0xffff;
	[tilespmem:s31+$0x3480] =	vst v10  }
0x19c: {  	v58 =	vadd.s32 $0xC5C1, v0;
	v7 =	vld.idx.msk [tilespmem:v56+s3+$0x0], $0xffff;
	[tilespmem:s13+$0x3480] =	vst v12  }
0x19d: {  	v4 =	vadd.s32 $0xC5C1, v4;
	[tilespmem:s26+$0x3880] =	vst v11;
	v62 =	vld.idx.msk [tilespmem:v57+s3+$0x0], $0xffff  }
0x19e: {  	v3 =	vadd.s32 $0xC5C1, v3;
	[tilespmem:s28+$0x3880] =	vst v9;
	v2 =	vld.idx.msk [tilespmem:v59+s3+$0x0], $0xffff  }
0x19f: {  	v1 =	vld.idx.msk [tilespmem:v60+s3+$0x0], $0xffff;
	[tilespmem:s29+$0x3880] =	vst v61  }
0x1a0: {  	[tilespmem:s24+$0x3880] =	vst v13;
	v5 =	vld.idx.msk [tilespmem:v5+s3+$0x0], $0xffff  }
0x1a1: {  	v0 =	vld.idx.msk [tilespmem:v58+s3+$0x0], $0xffff;
	[tilespmem:s31+$0x3880] =	vst v7  }
0x1a2: {  	v4 =	vld.idx.msk [tilespmem:v4+s3+$0x0], $0xffff;
	[tilespmem:s13+$0x3880] =	vst v62  }
0x1a3: {  	[tilespmem:s26+$0x3C80] =	vst v2;
	v63 =	vld.idx.msk [tilespmem:v3+s3+$0x0], $0xffff  }
0x1a4: {  	[tilespmem:s28+$0x3C80] =	vst v1  }
0x1a5: {  	s6 =	sshll.u32 s18, $0x5;
	s5 =	sshll.u32 s18, $0x7;
	[tilespmem:s29+$0x3C80] =	vst v5  }
0x1a6: {  	s2 =	sand.u32 $0x60, s6;
	s0 =	sand.u32 $0x200, s5;
	[tilespmem:s24+$0x3C80] =	vst v0  }
0x1a7: {  	s0 =	sor.u32 s2, s0;
	[tilespmem:s31+$0x3C80] =	vst v4  }
0x1a8: {  	s2 =	sadd.s32 $0x3, s22;
	s0 =	sadd.s32 s0, s8;
	[tilespmem:s13+$0x3C80] =	vst v63  }
0x1a9: {  	[hbm4b:s0+s10] =	stream.strided.scatter [tilespmem:s23], [sflag:s2], $0x400, s11, s10, $0x38;
	[tilespmem:$0x15B00] =	vst v63  }
0x1aa: {  	s7 =	sadd.s32 $0xDF00, s21;
	s9 =	sadd.s32 $0x8000, s0  }
0x1ab: {  	[hbm4b:s9+s10] =	stream.strided.scatter [tilespmem:s7], [sflag:s2], $0x400, s11, s10, $0x38;
	[tilespmem:$0x15B00] =	vst v63  }
0x1ac: {  	s12 =	sadd.s32 $0xE300, s21;
	s13 =	sadd.s32 $0x10000, s0  }
0x1ad: {  	[hbm4b:s13+s10] =	stream.strided.scatter [tilespmem:s12], [sflag:s2], $0x400, s11, s10, $0x38;
	[tilespmem:$0x15B00] =	vst v63  }
0x1ae: {  	s14 =	sadd.s32 $0xE700, s21;
	s22 =	sadd.s32 $0x18000, s0  }
0x1af: {  	[hbm4b:s22+s10] =	stream.strided.scatter [tilespmem:s14], [sflag:s2], $0x400, s11, s10, $0x38;
	[tilespmem:$0x15B00] =	vst v63  }
0x1b0: {  	s24 =	sadd.s32 $0x20000, s0;
	s23 =	sadd.s32 $0xEB00, s21  }
0x1b1: {  	[hbm4b:s24+s10] =	stream.strided.scatter [tilespmem:s23], [sflag:s2], $0x400, s11, s10, $0x38;
	[tilespmem:$0x15B00] =	vst v63  }
0x1b2: {  	s25 =	sadd.s32 $0xEF00, s21;
	s26 =	sadd.s32 $0x28000, s0  }
0x1b3: {  	[hbm4b:s26+s10] =	stream.strided.scatter [tilespmem:s25], [sflag:s2], $0x400, s11, s10, $0x38;
	[tilespmem:$0x15B00] =	vst v63  }
0x1b4: {  	s28 =	sadd.s32 $0xF300, s21;
	s29 =	sadd.s32 $0x30000, s0  }
0x1b5: {  	[hbm4b:s29+s10] =	stream.strided.scatter [tilespmem:s28], [sflag:s2], $0x400, s11, s10, $0x38;
	[tilespmem:$0x15B00] =	vst v63  }
0x1b6: {  	s30 =	sadd.s32 $0xF700, s21;
	s31 =	sadd.s32 $0x38000, s0  }
0x1b7: {  	[hbm4b:s31+s10] =	stream.strided.scatter [tilespmem:s30], [sflag:s2], $0x400, s11, s10, $0x38;
	[tilespmem:$0x15B00] =	vst v63  }
0x1b8: {  	s6 =	sadd.s32 $0xFB00, s21;
	s7 =	sadd.s32 $0x40000, s0  }
0x1b9: {  	[hbm4b:s7+s10] =	stream.strided.scatter [tilespmem:s6], [sflag:s2], $0x400, s11, s10, $0x38;
	[tilespmem:$0x15B00] =	vst v63  }
0x1ba: {  	s9 =	sadd.s32 $0xFF00, s21;
	s12 =	sadd.s32 $0x48000, s0  }
0x1bb: {  	[hbm4b:s12+s10] =	stream.strided.scatter [tilespmem:s9], [sflag:s2], $0x400, s11, s10, $0x38;
	[tilespmem:$0x15B00] =	vst v63  }
0x1bc: {  	s13 =	sadd.s32 $0x10300, s21;
	s14 =	sadd.s32 $0x50000, s0  }
0x1bd: {  	[hbm4b:s14+s10] =	stream.strided.scatter [tilespmem:s13], [sflag:s2], $0x400, s11, s10, $0x38;
	[tilespmem:$0x15B00] =	vst v63  }
0x1be: {  	s22 =	sadd.s32 $0x10700, s21;
	s23 =	sadd.s32 $0x58000, s0  }
0x1bf: {  	[hbm4b:s23+s10] =	stream.strided.scatter [tilespmem:s22], [sflag:s2], $0x400, s11, s10, $0x38;
	[tilespmem:$0x15B00] =	vst v63  }
0x1c0: {  	s24 =	sadd.s32 $0x10B00, s21;
	s25 =	sadd.s32 $0x60000, s0  }
0x1c1: {  	[hbm4b:s25+s10] =	stream.strided.scatter [tilespmem:s24], [sflag:s2], $0x400, s11, s10, $0x38;
	[tilespmem:$0x15B00] =	vst v63  }
0x1c2: {  	s26 =	sadd.s32 $0x10F00, s21;
	s28 =	sadd.s32 $0x68000, s0  }
0x1c3: {  	[hbm4b:s28+s10] =	stream.strided.scatter [tilespmem:s26], [sflag:s2], $0x400, s11, s10, $0x38;
	[tilespmem:$0x15B00] =	vst v63  }
0x1c4: {  	s29 =	sadd.s32 $0x11300, s21;
	s30 =	sadd.s32 $0x70000, s0  }
0x1c5: {  	[hbm4b:s30+s10] =	stream.strided.scatter [tilespmem:s29], [sflag:s2], $0x400, s11, s10, $0x38;
	[tilespmem:$0x15B00] =	vst v63  }
0x1c6: {  	p0 =	sgt.u32 s18, $0x5;
	s31 =	sadd.s32 $0x11700, s21;
	s0 =	sadd.s32 $0x78000, s0  }
0x1c7: {  	[hbm4b:s0+s10] =	stream.strided.scatter [tilespmem:s31], [sflag:s2], $0x400, s11, s10, $0x38;
	[tilespmem:$0x15B00] =	vst v63  }
0x1c8: {  	s0 =	sadd.s32 @!p0 $0x2, s18  }
0x1c9: {  	s2 =	sshll.u32 @!p0 s0, $0x7;
	s0 =	sshll.u32 @!p0 s0, $0x5  }
0x1ca: {  	s2 =	sadd.s32 @!p0 s4, s2;
	s0 =	sand.u32 @!p0 $0x60, s0  }
0x1cb: {  	s5 =	simm.s32 @!p0 $0x400;
	s2 =	sand.u32 @!p0 $0xFE00, s2;
	s0 =	sadd.s32 @!p0 s1, s0  }
0x1cc: {  	s18 =	sadd.s32 $0x1, s18;
	s0 =	sadd.s32 @!p0 s2, s0;
	s2 =	simm.s32 @!p0 $0x100  }
0x1cd: {  	[tilespmem:s20], [sflag:s19] =	stream.strided.gather @!p0 [hbm4b:s0+s2], $0x400, s5, s2, $0x38;
	[tilespmem:$0x15B00] =	vst v63  }
0x1ce: {  	p0 =	sne.s32 s18, $0x8  }
.Ltmp1:
0x1cf: {  	_ = 	snop;
	(pc) =	sbr.rel @p0 .LBB2_2-.Ltmp1, $1  }
0x1d0: {  	_ =	sdelay $0x3  }
0x1d1: {  	_ =	swait.ge [sflag:s15], $0x4000  }
0x1d2: {  	[sflag:s15] =	ssyncset.done $0x0  }
0x1d3: {  	[sflag:s15] =	ssyncadd.s32 $0xFFFFC000  }
0x1d4: {  	_ =	swait.ge [sflag:s16], $0x4000  }
0x1d5: {  	s17 =	sadd.s32 $0x1, s17;
	s0 =	rddreg [dreg:$0x7]  }
0x1d6: {  	p0 =	sne.s32 s17, s0  }
.Ltmp2:
0x1d7: {  	_ = 	snop;
	(pc) =	sbr.rel @p0 .LBB2_1-.Ltmp2, $3  }
0x1d8: {  	_ =	sdelay $0x1  }
0x1d9: {  	[sflag:s16] =	ssyncset.done $0x0  }
0x1da: {  	[sflag:s16] =	ssyncadd.s32 $0xFFFFC000  }
0x1db: {  	_ =	sfence.sel $0x180000  }
0x1dc: {  	[bflag:$0x0] =	sbarrier.arrive $0xFFFF  }
0x1dd: {  	_ =	strace $0x90000047  }
0x1de: {  	s0 =	stileid.u32;
	[bflag:$0x2] =	sbarrier.arrive $0xFFFF  }
0x1df: {  	p0 =	sne.s32 s0, $0x0;
	s0 =	rddreg [dreg:$0x3]  }
0x1e0: {  	s0 =	sadd.s32 @!p0 $0x100000, s0  }
0x1e1: {  	[sflag:s0] =	ssyncadd.tile.s32 @!p0 $0x1;
	_ =	shalt  }
.Lfunc_end2:
_tile_overlayer_lowered:
.L_overlay_start_2:
0x1e2: {  	(tag) =	ssettag $0x2  }
0x1e3: {  	s0 =	rddreg [dreg:$0x0];
	s2 =	stileid.u32  }
0x1e4: {  	s1 =	rddreg [dreg:$0x1];
	p0 =	sne.s32 s2, $0x0  }
0x1e5: {  	s3 =	rddreg [dreg:$0x2];
	[bflag:$0x3] =	sbarrier.arrive $0xFFFF;
	s2 =	simm.s32 @!p0 $0x1C05  }
0x1e6: {  	[timem:s3], [sflag:s2] =	dma.local @!p0 [hbm:s0], s1  }
0x1e7: {  	s0 =	simm.s32 @!p0 $0x5  }
0x1e8: {  	_ =	swait.ge @!p0 [sflag:s0], s1  }
0x1e9: {  	s1 =	ssub.s32 @!p0 $0x0, s1;
	[sflag:s0] =	ssyncset.done @!p0 $0x0  }
0x1ea: {  	[sflag:s0] =	ssyncadd.s32 @!p0 s1  }
0x1eb: {  	[bflag:$0x3] =	sbarrier.arrive $0xFFFF  }
0x1ec: {  	_ =	shalt  }

</sc_bundles>
